<compile_context>
chip_gen: v7x
topology: tpu7x:2x2x1
jax: 0.10.2.dev20260603
libtpu: 0.0.44.dev20260713+nightly
codegen_flags: <defaults>
</compile_context>

<pallas_src>
import functools

import jax
import jax.numpy as jnp
from jax import lax
from jax.experimental import pallas as pl
from jax.experimental.pallas import tpu as pltpu
from jax.experimental.pallas import tpu_sc as plsc

NEG_SLOPE = 0.2
NC = 2
NS = 16
NW = NC * NS
L = 16


def _prologue_body(npad, x_ref, w_ref, av_ref, tab_ref):
    x = x_ref[...]
    w = w_ref[...]
    av = av_ref[...]
    wu = lax.dot(av[:, 0:2], w, preferred_element_type=jnp.float32)
    wv = lax.dot(av[:, 2:4], w, preferred_element_type=jnp.float32)
    g = jnp.concatenate([w, wu, wv], axis=0)
    bigt = lax.dot_general(g, x, (((1,), (1,)), ((), ())),
                           preferred_element_type=jnp.float32)
    h_dim = w.shape[0]
    heads = av.shape[0]
    n = x.shape[0]
    tab_ref[0:h_dim + heads, 0:n] = bigt[0:h_dim + heads, :]
    us = bigt[h_dim:h_dim + heads, :]
    vd = bigt[h_dim + heads:h_dim + 2 * heads, :]
    bound = jnp.max(us, axis=1) + jnp.max(vd, axis=1)
    m = jnp.max(jnp.maximum(bound, NEG_SLOPE * bound))
    aux_row = h_dim + heads
    tab_ref[aux_row, 0:heads] = av[:, 2]
    tab_ref[aux_row, heads:2 * heads] = av[:, 3]
    tab_ref[aux_row, 2 * heads:2 * heads + L] = jnp.full((L,), m,
                                                         dtype=jnp.float32)


def _prologue(x, w, av):
    n = x.shape[0]
    npad = ((n + 127) // 128) * 128
    return pl.pallas_call(
        functools.partial(_prologue_body, npad),
        out_shape=jax.ShapeDtypeStruct((16, npad), jnp.float32),
    )(x, w, av)


def _sc_body(heads, epw, unroll, e_total, npad, *refs):
    hg_heads = heads // 2
    epad = e_total
    esd_ref, tab_ref, out_ref = refs[0:3]
    scr = refs[3:]
    es_v, ed_v, h0_v, h1_v = scr[0:4]
    us_vs = scr[4:4 + hg_heads]
    aux_v, o_v, sem = scr[4 + hg_heads:7 + hg_heads]

    cid = lax.axis_index("c")
    sid = lax.axis_index("s")
    wid = sid * NC + cid
    hg = wid % 2
    esl = wid // 2

    copies = [
        pltpu.async_copy(esd_ref.at[pl.ds(esl * epw, epw)], es_v, sem),
        pltpu.async_copy(esd_ref.at[pl.ds(epad + esl * epw, epw)], ed_v, sem),
        pltpu.async_copy(tab_ref.at[0], h0_v, sem),
        pltpu.async_copy(tab_ref.at[1], h1_v, sem),
        pltpu.async_copy(tab_ref.at[2 + heads, pl.ds(0, 4 * L)], aux_v, sem),
    ]

    @pl.when(hg == 0)
    def _():
        cs = [pltpu.async_copy(tab_ref.at[2 + h], us_vs[h], sem)
              for h in range(hg_heads)]
        for c in cs:
            c.wait()

    @pl.when(hg == 1)
    def _():
        cs = [pltpu.async_copy(tab_ref.at[2 + hg_heads + h], us_vs[h], sem)
              for h in range(hg_heads)]
        for c in cs:
            c.wait()

    for c in copies:
        c.wait()

    m_vec = aux_v[pl.ds(2 * heads, L)]
    hb = hg * hg_heads
    av2 = [plsc.load_gather(aux_v, [jnp.full((L,), h, jnp.int32) + hb])
           for h in range(hg_heads)]
    av3 = [plsc.load_gather(aux_v, [jnp.full((L,), heads + h, jnp.int32) + hb])
           for h in range(hg_heads)]

    init = tuple(jnp.zeros((L,), jnp.float32) for _ in range(3 * hg_heads))

    @plsc.parallel_loop(0, epw // L, 1, unroll=unroll, carry=init)
    def accs(i, accs):
        accs = list(accs)
        s = es_v[pl.ds(i * L, L)]
        d = ed_v[pl.ds(i * L, L)]
        hd0 = plsc.load_gather(h0_v, [d])
        hd1 = plsc.load_gather(h1_v, [d])
        for h in range(hg_heads):
            us_h = plsc.load_gather(us_vs[h], [s])
            z = us_h + av2[h] * hd0 + av3[h] * hd1
            y = jnp.maximum(z, NEG_SLOPE * z)
            p = jnp.exp(y - m_vec)
            accs[3 * h] = accs[3 * h] + p
            accs[3 * h + 1] = accs[3 * h + 1] + p * hd0
            accs[3 * h + 2] = accs[3 * h + 2] + p * hd1
        return tuple(accs)

    for h in range(hg_heads):
        o_v[pl.ds((0 * hg_heads + h) * L, L)] = accs[3 * h]
        o_v[pl.ds((1 * hg_heads + h) * L, L)] = accs[3 * h + 1]
        o_v[pl.ds((2 * hg_heads + h) * L, L)] = accs[3 * h + 2]
    nacc = 3 * hg_heads * L
    pltpu.sync_copy(o_v, out_ref.at[pl.ds(wid * nacc, nacc)])


def _sc_main(esd, tab, heads):
    e_total = esd.shape[0] // 2
    epw = e_total // (NW // 2)
    npad = tab.shape[1]
    unroll = 2
    assert epw % (L * unroll) == 0
    mesh = plsc.VectorSubcoreMesh(core_axis_name="c", subcore_axis_name="s",
                                  num_cores=NC, num_subcores=NS)
    nacc = 3 * (heads // 2) * L
    f = pl.kernel(
        functools.partial(_sc_body, heads, epw, unroll, e_total, npad),
        out_type=jax.ShapeDtypeStruct((NW * nacc,), jnp.float32),
        mesh=mesh,
        compiler_params=pltpu.CompilerParams(needs_layout_passes=False),
        scratch_types=(
            [pltpu.VMEM((epw,), jnp.int32)] * 2
            + [pltpu.VMEM((npad,), jnp.float32)] * (2 + heads // 2)
            + [pltpu.VMEM((4 * L,), jnp.float32),
               pltpu.VMEM((nacc,), jnp.float32),
               pltpu.SemaphoreType.DMA]
        ),
    )
    return f(esd, tab)


def _epilogue_body(heads, p_ref, o_ref):
    hh = heads // 2
    t = jnp.sum(jnp.sum(p_ref[...], axis=-1), axis=0)
    s = jnp.concatenate([t[0, 0:hh], t[1, 0:hh]])
    t0 = jnp.concatenate([t[0, hh:2 * hh], t[1, hh:2 * hh]])
    t1 = jnp.concatenate([t[0, 2 * hh:3 * hh], t[1, 2 * hh:3 * hh]])
    o_ref[...] = jax.nn.sigmoid(jnp.stack([t0 / s, t1 / s], axis=0))


def _epilogue(partials, heads):
    return pl.pallas_call(
        functools.partial(_epilogue_body, heads),
        out_shape=jax.ShapeDtypeStruct((2, heads), jnp.float32),
    )(partials)


def kernel(x, edges, a, W, attention_vectors):
    del a
    e = edges.shape[0]
    heads = attention_vectors.shape[0]
    assert e % (NW * L) == 0

    tab = _prologue(x, W, attention_vectors)
    esd = edges.astype(jnp.int32).T.reshape(-1)
    partials = _sc_main(esd, tab, heads)
    out28 = _epilogue(
        partials.reshape(NW // 2, 2, 3 * (heads // 2), L), heads)
    return out28.T

# --- scband reference (transcript-rebuilt; emitter-appended) ---
"""Pipeline reference for scband-gat-layer-3564822856110 (READ-ONLY COPY).

The authoritative reference and input builder live on the scoring server;
editing this copy changes nothing except your own understanding.
"""

import jax, jax.numpy as jnp
import numpy as np

N = 10000
E = 320000
IN_DIM = 128
LATENT = 2
HEADS = 8


def setup_inputs(seed: int = 0) -> dict:
    key = jax.random.key(seed)
    k1, k2, k3, k4, k5 = jax.random.split(key, 5)
    x = jax.random.normal(k1, (N, IN_DIM), dtype=jnp.float32)
    edges = jax.random.randint(k2, (E, 2), 0, N)
    a = jax.random.uniform(k3, (N, N), dtype=jnp.float32)
    # nn.Linear(in_dim, latent_dim, bias=False) weight: [latent, in_dim]
    W = jax.random.normal(k4, (LATENT, IN_DIM), dtype=jnp.float32) * (1.0 / np.sqrt(IN_DIM))
    # nn.Parameter(torch.rand((num_heads, 2 * latent_dim)))
    attention_vectors = jax.random.uniform(k5, (HEADS, 2 * LATENT), dtype=jnp.float32)
    return {"x": x, "edges": edges, "a": a, "W": W, "attention_vectors": attention_vectors}


def reference(x, edges, a, W, attention_vectors):
    # h = self.input_layer(x)
    h = x @ W.T  # [N, latent]
    latent = h.shape[-1]
    # h = h[edges, :].view(-1, 2 * latent)
    h = h[edges].reshape(-1, 2 * latent)  # [E, 2*latent]
    # degree / mask computation (mask is unused by get_attention_weight, kept faithful)
    degree = a.sum(0)
    mask = degree * jnp.arange(a.shape[0], dtype=a.dtype)
    # attention weight
    aw = jnp.einsum('hf,ef->he', attention_vectors, h)  # [H, E]
    aw = jax.nn.leaky_relu(aw, negative_slope=0.2)
    aw = jax.nn.softmax(aw, axis=-1)
    # _, h_j = torch.split(h, 2, -1): chunks of size 2 along last dim; with latent=2 there
    # are exactly two chunks, h_j is the second one -> columns [2:4]
    h_j = h[:, 2:4]  # [E, 2]
    out = jnp.einsum('he,ef->hf', aw, h_j)  # [H, 2]
    # predict=False -> sigmoid
    return jax.nn.sigmoid(out)

if __name__ == "__main__":
    import jax
    _d = setup_inputs()
    print(jax.jit(kernel)(*tuple(_d.values())))

</pallas_src>

<mosaic_0001>
#map = affine_map<(d0, d1) -> (0)>
#map1 = affine_map<(d0, d1) -> (0, 0)>
module attributes {stable_mosaic.version = 14 : i64} {
  func.func @_sc_body(%arg0: i32, %arg1: i32, %arg2: memref<640000xi32, #tpu.memory_space<hbm>>, %arg3: memref<16x10112xf32, #tpu.memory_space<hbm>>, %arg4: memref<6144xf32, #tpu.memory_space<hbm>>, %arg5: memref<20000xi32, #tpu.memory_space<vmem>>, %arg6: memref<20000xi32, #tpu.memory_space<vmem>>, %arg7: memref<10112xf32, #tpu.memory_space<vmem>>, %arg8: memref<10112xf32, #tpu.memory_space<vmem>>, %arg9: memref<10112xf32, #tpu.memory_space<vmem>>, %arg10: memref<10112xf32, #tpu.memory_space<vmem>>, %arg11: memref<10112xf32, #tpu.memory_space<vmem>>, %arg12: memref<10112xf32, #tpu.memory_space<vmem>>, %arg13: memref<64xf32, #tpu.memory_space<vmem>>, %arg14: memref<192xf32, #tpu.memory_space<vmem>>, %arg15: memref<!tpu.dma_semaphore, #tpu.memory_space<semaphore_mem>>) attributes {dimension_semantics = [#tpu.dimension_semantics<core_parallel>, #tpu.dimension_semantics<subcore_parallel>], iteration_bounds = array<i64: 2, 16>, scalar_prefetch = 0 : i64, scratch_operands = 11 : i64, tpu.core_type = #tpu.core_type<sc_vector_subcore>, window_params = [{transform_indices = #map}, {transform_indices = #map1}, {transform_indices = #map}]} {
    %mul3A = arith.constant 2 : i32
    %mul3A_0 = arith.muli %arg1, %mul3A : i32
    %add3A = arith.addi %mul3A_0, %arg0 : i32
    %jit3A = arith.constant 2 : i32
    %eq3A = arith.constant 0 : i32
    %eq3A_1 = arith.cmpi eq, %jit3A, %eq3A : i32
    %jit3A_2 = arith.constant 1 : i32
    %select_n3A = arith.select %eq3A_1, %jit3A_2, %jit3A : i32
    %rem3A = arith.remsi %add3A, %select_n3A : i32
    %ne3A = arith.constant 0 : i32
    %ne3A_3 = arith.cmpi ne, %rem3A, %ne3A : i32
    %lt3A = arith.constant 0 : i32
    %lt3A_4 = arith.cmpi slt, %rem3A, %lt3A : i32
    %lt3A_5 = arith.constant 0 : i32
    %lt3A_6 = arith.cmpi slt, %select_n3A, %lt3A_5 : i32
    %ne3A_7 = arith.xori %lt3A_4, %lt3A_6 : i1
    %and3A = arith.andi %ne3A_7, %ne3A_3 : i1
    %add3A_8 = arith.addi %rem3A, %select_n3A : i32
    %select_n3A_9 = arith.select %and3A, %add3A_8, %rem3A : i32
    %jit3A_10 = arith.constant 2 : i32
    %div3A = arith.divsi %add3A, %jit3A_10 : i32
    %sign3A = arith.constant 0 : i32
    %sign3A_11 = arith.cmpi sgt, %add3A, %sign3A : i32
    %sign3A_12 = arith.extui %sign3A_11 : i1 to i32
    %sign3A_13 = arith.constant 0 : i32
    %sign3A_14 = arith.cmpi slt, %add3A, %sign3A_13 : i32
    %sign3A_15 = arith.extui %sign3A_14 : i1 to i32
    %sign3A_16 = arith.subi %sign3A_12, %sign3A_15 : i32
    %sign3A_17 = arith.constant 0 : i32
    %sign3A_18 = arith.cmpi sgt, %jit3A_10, %sign3A_17 : i32
    %sign3A_19 = arith.extui %sign3A_18 : i1 to i32
    %sign3A_20 = arith.constant 0 : i32
    %sign3A_21 = arith.cmpi slt, %jit3A_10, %sign3A_20 : i32
    %sign3A_22 = arith.extui %sign3A_21 : i1 to i32
    %sign3A_23 = arith.subi %sign3A_19, %sign3A_22 : i32
    %ne3A_24 = arith.cmpi ne, %sign3A_16, %sign3A_23 : i32
    %rem3A_25 = arith.remsi %add3A, %jit3A_10 : i32
    %ne3A_26 = arith.constant 0 : i32
    %ne3A_27 = arith.cmpi ne, %rem3A_25, %ne3A_26 : i32
    %and3A_28 = arith.andi %ne3A_24, %ne3A_27 : i1
    %sub3A = arith.constant 1 : i32
    %sub3A_29 = arith.subi %div3A, %sub3A : i32
    %select_n3A_30 = arith.select %and3A_28, %sub3A_29, %div3A : i32
    %mul3A_31 = arith.constant 20000 : i32
    %mul3A_32 = arith.muli %select_n3A_30, %mul3A_31 : i32
    %dma_start3A = tpu.memref_slice %arg2[%mul3A_32] : memref<640000xi32, #tpu.memory_space<hbm>> -> memref<20000xi32, #tpu.memory_space<hbm>>
    %dma_start3A_33 = tpu.memref_slice %arg2[%mul3A_32] : memref<640000xi32, #tpu.memory_space<hbm>> -> memref<20000xi32, #tpu.memory_space<hbm>>
    tpu.enqueue_dma source(%dma_start3A_33 : memref<20000xi32, #tpu.memory_space<hbm>>) target(%arg5 : memref<20000xi32, #tpu.memory_space<vmem>>) target_semaphore(%arg15 : memref<!tpu.dma_semaphore, #tpu.memory_space<semaphore_mem>>)
    %mul3A_34 = arith.constant 20000 : i32
    %mul3A_35 = arith.muli %select_n3A_30, %mul3A_34 : i32
    %add3A_36 = arith.constant 320000 : i32
    %add3A_37 = arith.addi %add3A_36, %mul3A_35 : i32
    %dma_start3A_38 = tpu.memref_slice %arg2[%add3A_37] : memref<640000xi32, #tpu.memory_space<hbm>> -> memref<20000xi32, #tpu.memory_space<hbm>>
    %dma_start3A_39 = tpu.memref_slice %arg2[%add3A_37] : memref<640000xi32, #tpu.memory_space<hbm>> -> memref<20000xi32, #tpu.memory_space<hbm>>
    tpu.enqueue_dma source(%dma_start3A_39 : memref<20000xi32, #tpu.memory_space<hbm>>) target(%arg6 : memref<20000xi32, #tpu.memory_space<vmem>>) target_semaphore(%arg15 : memref<!tpu.dma_semaphore, #tpu.memory_space<semaphore_mem>>)
    %dma_start3A_40 = arith.constant 0 : i32
    %dma_start3A_41 = arith.constant 0 : i32
    %dma_start3A_42 = tpu.memref_slice %arg3[%dma_start3A_40, %dma_start3A_41] : memref<16x10112xf32, #tpu.memory_space<hbm>> -> memref<1x10112xf32, #tpu.memory_space<hbm>>
    %dma_start3A_43 = tpu.memref_squeeze %dma_start3A_42 : memref<1x10112xf32, #tpu.memory_space<hbm>> -> memref<10112xf32, #tpu.memory_space<hbm>>
    %dma_start3A_44 = arith.constant 0 : i32
    %dma_start3A_45 = tpu.memref_slice %arg3[%dma_start3A_40, %dma_start3A_44] : memref<16x10112xf32, #tpu.memory_space<hbm>> -> memref<1x10112xf32, #tpu.memory_space<hbm>>
    %dma_start3A_46 = tpu.memref_squeeze %dma_start3A_45 : memref<1x10112xf32, #tpu.memory_space<hbm>> -> memref<10112xf32, #tpu.memory_space<hbm>>
    tpu.enqueue_dma source(%dma_start3A_46 : memref<10112xf32, #tpu.memory_space<hbm>>) target(%arg7 : memref<10112xf32, #tpu.memory_space<vmem>>) target_semaphore(%arg15 : memref<!tpu.dma_semaphore, #tpu.memory_space<semaphore_mem>>)
    %dma_start3A_47 = arith.constant 1 : i32
    %dma_start3A_48 = arith.constant 0 : i32
    %dma_start3A_49 = tpu.memref_slice %arg3[%dma_start3A_47, %dma_start3A_48] : memref<16x10112xf32, #tpu.memory_space<hbm>> -> memref<1x10112xf32, #tpu.memory_space<hbm>>
    %dma_start3A_50 = tpu.memref_squeeze %dma_start3A_49 : memref<1x10112xf32, #tpu.memory_space<hbm>> -> memref<10112xf32, #tpu.memory_space<hbm>>
    %dma_start3A_51 = arith.constant 0 : i32
    %dma_start3A_52 = tpu.memref_slice %arg3[%dma_start3A_47, %dma_start3A_51] : memref<16x10112xf32, #tpu.memory_space<hbm>> -> memref<1x10112xf32, #tpu.memory_space<hbm>>
    %dma_start3A_53 = tpu.memref_squeeze %dma_start3A_52 : memref<1x10112xf32, #tpu.memory_space<hbm>> -> memref<10112xf32, #tpu.memory_space<hbm>>
    tpu.enqueue_dma source(%dma_start3A_53 : memref<10112xf32, #tpu.memory_space<hbm>>) target(%arg8 : memref<10112xf32, #tpu.memory_space<vmem>>) target_semaphore(%arg15 : memref<!tpu.dma_semaphore, #tpu.memory_space<semaphore_mem>>)
    %dma_start3A_54 = arith.constant 10 : i32
    %dma_start3A_55 = arith.constant 0 : i32
    %dma_start3A_56 = tpu.memref_slice %arg3[%dma_start3A_54, %dma_start3A_55] : memref<16x10112xf32, #tpu.memory_space<hbm>> -> memref<1x64xf32, #tpu.memory_space<hbm>>
    %dma_start3A_57 = tpu.memref_squeeze %dma_start3A_56 : memref<1x64xf32, #tpu.memory_space<hbm>> -> memref<64xf32, #tpu.memory_space<hbm>>
    %dma_start3A_58 = arith.constant 0 : i32
    %dma_start3A_59 = tpu.memref_slice %arg3[%dma_start3A_54, %dma_start3A_58] : memref<16x10112xf32, #tpu.memory_space<hbm>> -> memref<1x64xf32, #tpu.memory_space<hbm>>
    %dma_start3A_60 = tpu.memref_squeeze %dma_start3A_59 : memref<1x64xf32, #tpu.memory_space<hbm>> -> memref<64xf32, #tpu.memory_space<hbm>>
    tpu.enqueue_dma source(%dma_start3A_60 : memref<64xf32, #tpu.memory_space<hbm>>) target(%arg13 : memref<64xf32, #tpu.memory_space<vmem>>) target_semaphore(%arg15 : memref<!tpu.dma_semaphore, #tpu.memory_space<semaphore_mem>>)
    %eq3A_61 = arith.constant 0 : i32
    %eq3A_62 = arith.cmpi eq, %select_n3A_9, %eq3A_61 : i32
    %convert_element_type3A = arith.extui %eq3A_62 : i1 to i32
    %cond3A = arith.constant 0 : i32
    %cond3A_63 = arith.cmpi ne, %convert_element_type3A, %cond3A : i32
    scf.if %cond3A_63 {
      %dma_start3A_186 = arith.constant 2 : i32
      %dma_start3A_187 = arith.constant 0 : i32
      %dma_start3A_188 = tpu.memref_slice %arg3[%dma_start3A_186, %dma_start3A_187] : memref<16x10112xf32, #tpu.memory_space<hbm>> -> memref<1x10112xf32, #tpu.memory_space<hbm>>
      %dma_start3A_189 = tpu.memref_squeeze %dma_start3A_188 : memref<1x10112xf32, #tpu.memory_space<hbm>> -> memref<10112xf32, #tpu.memory_space<hbm>>
      %dma_start3A_190 = arith.constant 0 : i32
      %dma_start3A_191 = tpu.memref_slice %arg3[%dma_start3A_186, %dma_start3A_190] : memref<16x10112xf32, #tpu.memory_space<hbm>> -> memref<1x10112xf32, #tpu.memory_space<hbm>>
      %dma_start3A_192 = tpu.memref_squeeze %dma_start3A_191 : memref<1x10112xf32, #tpu.memory_space<hbm>> -> memref<10112xf32, #tpu.memory_space<hbm>>
      tpu.enqueue_dma source(%dma_start3A_192 : memref<10112xf32, #tpu.memory_space<hbm>>) target(%arg9 : memref<10112xf32, #tpu.memory_space<vmem>>) target_semaphore(%arg15 : memref<!tpu.dma_semaphore, #tpu.memory_space<semaphore_mem>>)
      %dma_start3A_193 = arith.constant 3 : i32
      %dma_start3A_194 = arith.constant 0 : i32
      %dma_start3A_195 = tpu.memref_slice %arg3[%dma_start3A_193, %dma_start3A_194] : memref<16x10112xf32, #tpu.memory_space<hbm>> -> memref<1x10112xf32, #tpu.memory_space<hbm>>
      %dma_start3A_196 = tpu.memref_squeeze %dma_start3A_195 : memref<1x10112xf32, #tpu.memory_space<hbm>> -> memref<10112xf32, #tpu.memory_space<hbm>>
      %dma_start3A_197 = arith.constant 0 : i32
      %dma_start3A_198 = tpu.memref_slice %arg3[%dma_start3A_193, %dma_start3A_197] : memref<16x10112xf32, #tpu.memory_space<hbm>> -> memref<1x10112xf32, #tpu.memory_space<hbm>>
      %dma_start3A_199 = tpu.memref_squeeze %dma_start3A_198 : memref<1x10112xf32, #tpu.memory_space<hbm>> -> memref<10112xf32, #tpu.memory_space<hbm>>
      tpu.enqueue_dma source(%dma_start3A_199 : memref<10112xf32, #tpu.memory_space<hbm>>) target(%arg10 : memref<10112xf32, #tpu.memory_space<vmem>>) target_semaphore(%arg15 : memref<!tpu.dma_semaphore, #tpu.memory_space<semaphore_mem>>)
      %dma_start3A_200 = arith.constant 4 : i32
      %dma_start3A_201 = arith.constant 0 : i32
      %dma_start3A_202 = tpu.memref_slice %arg3[%dma_start3A_200, %dma_start3A_201] : memref<16x10112xf32, #tpu.memory_space<hbm>> -> memref<1x10112xf32, #tpu.memory_space<hbm>>
      %dma_start3A_203 = tpu.memref_squeeze %dma_start3A_202 : memref<1x10112xf32, #tpu.memory_space<hbm>> -> memref<10112xf32, #tpu.memory_space<hbm>>
      %dma_start3A_204 = arith.constant 0 : i32
      %dma_start3A_205 = tpu.memref_slice %arg3[%dma_start3A_200, %dma_start3A_204] : memref<16x10112xf32, #tpu.memory_space<hbm>> -> memref<1x10112xf32, #tpu.memory_space<hbm>>
      %dma_start3A_206 = tpu.memref_squeeze %dma_start3A_205 : memref<1x10112xf32, #tpu.memory_space<hbm>> -> memref<10112xf32, #tpu.memory_space<hbm>>
      tpu.enqueue_dma source(%dma_start3A_206 : memref<10112xf32, #tpu.memory_space<hbm>>) target(%arg11 : memref<10112xf32, #tpu.memory_space<vmem>>) target_semaphore(%arg15 : memref<!tpu.dma_semaphore, #tpu.memory_space<semaphore_mem>>)
      %dma_start3A_207 = arith.constant 5 : i32
      %dma_start3A_208 = arith.constant 0 : i32
      %dma_start3A_209 = tpu.memref_slice %arg3[%dma_start3A_207, %dma_start3A_208] : memref<16x10112xf32, #tpu.memory_space<hbm>> -> memref<1x10112xf32, #tpu.memory_space<hbm>>
      %dma_start3A_210 = tpu.memref_squeeze %dma_start3A_209 : memref<1x10112xf32, #tpu.memory_space<hbm>> -> memref<10112xf32, #tpu.memory_space<hbm>>
      %dma_start3A_211 = arith.constant 0 : i32
      %dma_start3A_212 = tpu.memref_slice %arg3[%dma_start3A_207, %dma_start3A_211] : memref<16x10112xf32, #tpu.memory_space<hbm>> -> memref<1x10112xf32, #tpu.memory_space<hbm>>
      %dma_start3A_213 = tpu.memref_squeeze %dma_start3A_212 : memref<1x10112xf32, #tpu.memory_space<hbm>> -> memref<10112xf32, #tpu.memory_space<hbm>>
      tpu.enqueue_dma source(%dma_start3A_213 : memref<10112xf32, #tpu.memory_space<hbm>>) target(%arg12 : memref<10112xf32, #tpu.memory_space<vmem>>) target_semaphore(%arg15 : memref<!tpu.dma_semaphore, #tpu.memory_space<semaphore_mem>>)
      %dma_wait3A_214 = arith.constant 2 : i32
      %dma_wait3A_215 = arith.constant 0 : i32
      %dma_wait3A_216 = tpu.memref_slice %arg3[%dma_wait3A_214, %dma_wait3A_215] : memref<16x10112xf32, #tpu.memory_space<hbm>> -> memref<1x10112xf32, #tpu.memory_space<hbm>>
      %dma_wait3A_217 = tpu.memref_squeeze %dma_wait3A_216 : memref<1x10112xf32, #tpu.memory_space<hbm>> -> memref<10112xf32, #tpu.memory_space<hbm>>
      %dma_wait3A_218 = arith.constant 0 : i32
      %dma_wait3A_219 = tpu.memref_slice %arg3[%dma_wait3A_214, %dma_wait3A_218] : memref<16x10112xf32, #tpu.memory_space<hbm>> -> memref<1x10112xf32, #tpu.memory_space<hbm>>
      %dma_wait3A_220 = tpu.memref_squeeze %dma_wait3A_219 : memref<1x10112xf32, #tpu.memory_space<hbm>> -> memref<10112xf32, #tpu.memory_space<hbm>>
      tpu.wait_dma2 semaphore(%arg15 : memref<!tpu.dma_semaphore, #tpu.memory_space<semaphore_mem>>) src(%dma_wait3A_220 : memref<10112xf32, #tpu.memory_space<hbm>>) dst(%arg9 : memref<10112xf32, #tpu.memory_space<vmem>>)
      %dma_wait3A_221 = arith.constant 3 : i32
      %dma_wait3A_222 = arith.constant 0 : i32
      %dma_wait3A_223 = tpu.memref_slice %arg3[%dma_wait3A_221, %dma_wait3A_222] : memref<16x10112xf32, #tpu.memory_space<hbm>> -> memref<1x10112xf32, #tpu.memory_space<hbm>>
      %dma_wait3A_224 = tpu.memref_squeeze %dma_wait3A_223 : memref<1x10112xf32, #tpu.memory_space<hbm>> -> memref<10112xf32, #tpu.memory_space<hbm>>
      %dma_wait3A_225 = arith.constant 0 : i32
      %dma_wait3A_226 = tpu.memref_slice %arg3[%dma_wait3A_221, %dma_wait3A_225] : memref<16x10112xf32, #tpu.memory_space<hbm>> -> memref<1x10112xf32, #tpu.memory_space<hbm>>
      %dma_wait3A_227 = tpu.memref_squeeze %dma_wait3A_226 : memref<1x10112xf32, #tpu.memory_space<hbm>> -> memref<10112xf32, #tpu.memory_space<hbm>>
      tpu.wait_dma2 semaphore(%arg15 : memref<!tpu.dma_semaphore, #tpu.memory_space<semaphore_mem>>) src(%dma_wait3A_227 : memref<10112xf32, #tpu.memory_space<hbm>>) dst(%arg10 : memref<10112xf32, #tpu.memory_space<vmem>>)
      %dma_wait3A_228 = arith.constant 4 : i32
      %dma_wait3A_229 = arith.constant 0 : i32
      %dma_wait3A_230 = tpu.memref_slice %arg3[%dma_wait3A_228, %dma_wait3A_229] : memref<16x10112xf32, #tpu.memory_space<hbm>> -> memref<1x10112xf32, #tpu.memory_space<hbm>>
      %dma_wait3A_231 = tpu.memref_squeeze %dma_wait3A_230 : memref<1x10112xf32, #tpu.memory_space<hbm>> -> memref<10112xf32, #tpu.memory_space<hbm>>
      %dma_wait3A_232 = arith.constant 0 : i32
      %dma_wait3A_233 = tpu.memref_slice %arg3[%dma_wait3A_228, %dma_wait3A_232] : memref<16x10112xf32, #tpu.memory_space<hbm>> -> memref<1x10112xf32, #tpu.memory_space<hbm>>
      %dma_wait3A_234 = tpu.memref_squeeze %dma_wait3A_233 : memref<1x10112xf32, #tpu.memory_space<hbm>> -> memref<10112xf32, #tpu.memory_space<hbm>>
      tpu.wait_dma2 semaphore(%arg15 : memref<!tpu.dma_semaphore, #tpu.memory_space<semaphore_mem>>) src(%dma_wait3A_234 : memref<10112xf32, #tpu.memory_space<hbm>>) dst(%arg11 : memref<10112xf32, #tpu.memory_space<vmem>>)
      %dma_wait3A_235 = arith.constant 5 : i32
      %dma_wait3A_236 = arith.constant 0 : i32
      %dma_wait3A_237 = tpu.memref_slice %arg3[%dma_wait3A_235, %dma_wait3A_236] : memref<16x10112xf32, #tpu.memory_space<hbm>> -> memref<1x10112xf32, #tpu.memory_space<hbm>>
      %dma_wait3A_238 = tpu.memref_squeeze %dma_wait3A_237 : memref<1x10112xf32, #tpu.memory_space<hbm>> -> memref<10112xf32, #tpu.memory_space<hbm>>
      %dma_wait3A_239 = arith.constant 0 : i32
      %dma_wait3A_240 = tpu.memref_slice %arg3[%dma_wait3A_235, %dma_wait3A_239] : memref<16x10112xf32, #tpu.memory_space<hbm>> -> memref<1x10112xf32, #tpu.memory_space<hbm>>
      %dma_wait3A_241 = tpu.memref_squeeze %dma_wait3A_240 : memref<1x10112xf32, #tpu.memory_space<hbm>> -> memref<10112xf32, #tpu.memory_space<hbm>>
      tpu.wait_dma2 semaphore(%arg15 : memref<!tpu.dma_semaphore, #tpu.memory_space<semaphore_mem>>) src(%dma_wait3A_241 : memref<10112xf32, #tpu.memory_space<hbm>>) dst(%arg12 : memref<10112xf32, #tpu.memory_space<vmem>>)
    } else {
    }
    %eq3A_64 = arith.constant 1 : i32
    %eq3A_65 = arith.cmpi eq, %select_n3A_9, %eq3A_64 : i32
    %convert_element_type3A_66 = arith.extui %eq3A_65 : i1 to i32
    %cond3A_67 = arith.constant 0 : i32
    %cond3A_68 = arith.cmpi ne, %convert_element_type3A_66, %cond3A_67 : i32
    scf.if %cond3A_68 {
      %dma_start3A_186 = arith.constant 6 : i32
      %dma_start3A_187 = arith.constant 0 : i32
      %dma_start3A_188 = tpu.memref_slice %arg3[%dma_start3A_186, %dma_start3A_187] : memref<16x10112xf32, #tpu.memory_space<hbm>> -> memref<1x10112xf32, #tpu.memory_space<hbm>>
      %dma_start3A_189 = tpu.memref_squeeze %dma_start3A_188 : memref<1x10112xf32, #tpu.memory_space<hbm>> -> memref<10112xf32, #tpu.memory_space<hbm>>
      %dma_start3A_190 = arith.constant 0 : i32
      %dma_start3A_191 = tpu.memref_slice %arg3[%dma_start3A_186, %dma_start3A_190] : memref<16x10112xf32, #tpu.memory_space<hbm>> -> memref<1x10112xf32, #tpu.memory_space<hbm>>
      %dma_start3A_192 = tpu.memref_squeeze %dma_start3A_191 : memref<1x10112xf32, #tpu.memory_space<hbm>> -> memref<10112xf32, #tpu.memory_space<hbm>>
      tpu.enqueue_dma source(%dma_start3A_192 : memref<10112xf32, #tpu.memory_space<hbm>>) target(%arg9 : memref<10112xf32, #tpu.memory_space<vmem>>) target_semaphore(%arg15 : memref<!tpu.dma_semaphore, #tpu.memory_space<semaphore_mem>>)
      %dma_start3A_193 = arith.constant 7 : i32
      %dma_start3A_194 = arith.constant 0 : i32
      %dma_start3A_195 = tpu.memref_slice %arg3[%dma_start3A_193, %dma_start3A_194] : memref<16x10112xf32, #tpu.memory_space<hbm>> -> memref<1x10112xf32, #tpu.memory_space<hbm>>
      %dma_start3A_196 = tpu.memref_squeeze %dma_start3A_195 : memref<1x10112xf32, #tpu.memory_space<hbm>> -> memref<10112xf32, #tpu.memory_space<hbm>>
      %dma_start3A_197 = arith.constant 0 : i32
      %dma_start3A_198 = tpu.memref_slice %arg3[%dma_start3A_193, %dma_start3A_197] : memref<16x10112xf32, #tpu.memory_space<hbm>> -> memref<1x10112xf32, #tpu.memory_space<hbm>>
      %dma_start3A_199 = tpu.memref_squeeze %dma_start3A_198 : memref<1x10112xf32, #tpu.memory_space<hbm>> -> memref<10112xf32, #tpu.memory_space<hbm>>
      tpu.enqueue_dma source(%dma_start3A_199 : memref<10112xf32, #tpu.memory_space<hbm>>) target(%arg10 : memref<10112xf32, #tpu.memory_space<vmem>>) target_semaphore(%arg15 : memref<!tpu.dma_semaphore, #tpu.memory_space<semaphore_mem>>)
      %dma_start3A_200 = arith.constant 8 : i32
      %dma_start3A_201 = arith.constant 0 : i32
      %dma_start3A_202 = tpu.memref_slice %arg3[%dma_start3A_200, %dma_start3A_201] : memref<16x10112xf32, #tpu.memory_space<hbm>> -> memref<1x10112xf32, #tpu.memory_space<hbm>>
      %dma_start3A_203 = tpu.memref_squeeze %dma_start3A_202 : memref<1x10112xf32, #tpu.memory_space<hbm>> -> memref<10112xf32, #tpu.memory_space<hbm>>
      %dma_start3A_204 = arith.constant 0 : i32
      %dma_start3A_205 = tpu.memref_slice %arg3[%dma_start3A_200, %dma_start3A_204] : memref<16x10112xf32, #tpu.memory_space<hbm>> -> memref<1x10112xf32, #tpu.memory_space<hbm>>
      %dma_start3A_206 = tpu.memref_squeeze %dma_start3A_205 : memref<1x10112xf32, #tpu.memory_space<hbm>> -> memref<10112xf32, #tpu.memory_space<hbm>>
      tpu.enqueue_dma source(%dma_start3A_206 : memref<10112xf32, #tpu.memory_space<hbm>>) target(%arg11 : memref<10112xf32, #tpu.memory_space<vmem>>) target_semaphore(%arg15 : memref<!tpu.dma_semaphore, #tpu.memory_space<semaphore_mem>>)
      %dma_start3A_207 = arith.constant 9 : i32
      %dma_start3A_208 = arith.constant 0 : i32
      %dma_start3A_209 = tpu.memref_slice %arg3[%dma_start3A_207, %dma_start3A_208] : memref<16x10112xf32, #tpu.memory_space<hbm>> -> memref<1x10112xf32, #tpu.memory_space<hbm>>
      %dma_start3A_210 = tpu.memref_squeeze %dma_start3A_209 : memref<1x10112xf32, #tpu.memory_space<hbm>> -> memref<10112xf32, #tpu.memory_space<hbm>>
      %dma_start3A_211 = arith.constant 0 : i32
      %dma_start3A_212 = tpu.memref_slice %arg3[%dma_start3A_207, %dma_start3A_211] : memref<16x10112xf32, #tpu.memory_space<hbm>> -> memref<1x10112xf32, #tpu.memory_space<hbm>>
      %dma_start3A_213 = tpu.memref_squeeze %dma_start3A_212 : memref<1x10112xf32, #tpu.memory_space<hbm>> -> memref<10112xf32, #tpu.memory_space<hbm>>
      tpu.enqueue_dma source(%dma_start3A_213 : memref<10112xf32, #tpu.memory_space<hbm>>) target(%arg12 : memref<10112xf32, #tpu.memory_space<vmem>>) target_semaphore(%arg15 : memref<!tpu.dma_semaphore, #tpu.memory_space<semaphore_mem>>)
      %dma_wait3A_214 = arith.constant 6 : i32
      %dma_wait3A_215 = arith.constant 0 : i32
      %dma_wait3A_216 = tpu.memref_slice %arg3[%dma_wait3A_214, %dma_wait3A_215] : memref<16x10112xf32, #tpu.memory_space<hbm>> -> memref<1x10112xf32, #tpu.memory_space<hbm>>
      %dma_wait3A_217 = tpu.memref_squeeze %dma_wait3A_216 : memref<1x10112xf32, #tpu.memory_space<hbm>> -> memref<10112xf32, #tpu.memory_space<hbm>>
      %dma_wait3A_218 = arith.constant 0 : i32
      %dma_wait3A_219 = tpu.memref_slice %arg3[%dma_wait3A_214, %dma_wait3A_218] : memref<16x10112xf32, #tpu.memory_space<hbm>> -> memref<1x10112xf32, #tpu.memory_space<hbm>>
      %dma_wait3A_220 = tpu.memref_squeeze %dma_wait3A_219 : memref<1x10112xf32, #tpu.memory_space<hbm>> -> memref<10112xf32, #tpu.memory_space<hbm>>
      tpu.wait_dma2 semaphore(%arg15 : memref<!tpu.dma_semaphore, #tpu.memory_space<semaphore_mem>>) src(%dma_wait3A_220 : memref<10112xf32, #tpu.memory_space<hbm>>) dst(%arg9 : memref<10112xf32, #tpu.memory_space<vmem>>)
      %dma_wait3A_221 = arith.constant 7 : i32
      %dma_wait3A_222 = arith.constant 0 : i32
      %dma_wait3A_223 = tpu.memref_slice %arg3[%dma_wait3A_221, %dma_wait3A_222] : memref<16x10112xf32, #tpu.memory_space<hbm>> -> memref<1x10112xf32, #tpu.memory_space<hbm>>
      %dma_wait3A_224 = tpu.memref_squeeze %dma_wait3A_223 : memref<1x10112xf32, #tpu.memory_space<hbm>> -> memref<10112xf32, #tpu.memory_space<hbm>>
      %dma_wait3A_225 = arith.constant 0 : i32
      %dma_wait3A_226 = tpu.memref_slice %arg3[%dma_wait3A_221, %dma_wait3A_225] : memref<16x10112xf32, #tpu.memory_space<hbm>> -> memref<1x10112xf32, #tpu.memory_space<hbm>>
      %dma_wait3A_227 = tpu.memref_squeeze %dma_wait3A_226 : memref<1x10112xf32, #tpu.memory_space<hbm>> -> memref<10112xf32, #tpu.memory_space<hbm>>
      tpu.wait_dma2 semaphore(%arg15 : memref<!tpu.dma_semaphore, #tpu.memory_space<semaphore_mem>>) src(%dma_wait3A_227 : memref<10112xf32, #tpu.memory_space<hbm>>) dst(%arg10 : memref<10112xf32, #tpu.memory_space<vmem>>)
      %dma_wait3A_228 = arith.constant 8 : i32
      %dma_wait3A_229 = arith.constant 0 : i32
      %dma_wait3A_230 = tpu.memref_slice %arg3[%dma_wait3A_228, %dma_wait3A_229] : memref<16x10112xf32, #tpu.memory_space<hbm>> -> memref<1x10112xf32, #tpu.memory_space<hbm>>
      %dma_wait3A_231 = tpu.memref_squeeze %dma_wait3A_230 : memref<1x10112xf32, #tpu.memory_space<hbm>> -> memref<10112xf32, #tpu.memory_space<hbm>>
      %dma_wait3A_232 = arith.constant 0 : i32
      %dma_wait3A_233 = tpu.memref_slice %arg3[%dma_wait3A_228, %dma_wait3A_232] : memref<16x10112xf32, #tpu.memory_space<hbm>> -> memref<1x10112xf32, #tpu.memory_space<hbm>>
      %dma_wait3A_234 = tpu.memref_squeeze %dma_wait3A_233 : memref<1x10112xf32, #tpu.memory_space<hbm>> -> memref<10112xf32, #tpu.memory_space<hbm>>
      tpu.wait_dma2 semaphore(%arg15 : memref<!tpu.dma_semaphore, #tpu.memory_space<semaphore_mem>>) src(%dma_wait3A_234 : memref<10112xf32, #tpu.memory_space<hbm>>) dst(%arg11 : memref<10112xf32, #tpu.memory_space<vmem>>)
      %dma_wait3A_235 = arith.constant 9 : i32
      %dma_wait3A_236 = arith.constant 0 : i32
      %dma_wait3A_237 = tpu.memref_slice %arg3[%dma_wait3A_235, %dma_wait3A_236] : memref<16x10112xf32, #tpu.memory_space<hbm>> -> memref<1x10112xf32, #tpu.memory_space<hbm>>
      %dma_wait3A_238 = tpu.memref_squeeze %dma_wait3A_237 : memref<1x10112xf32, #tpu.memory_space<hbm>> -> memref<10112xf32, #tpu.memory_space<hbm>>
      %dma_wait3A_239 = arith.constant 0 : i32
      %dma_wait3A_240 = tpu.memref_slice %arg3[%dma_wait3A_235, %dma_wait3A_239] : memref<16x10112xf32, #tpu.memory_space<hbm>> -> memref<1x10112xf32, #tpu.memory_space<hbm>>
      %dma_wait3A_241 = tpu.memref_squeeze %dma_wait3A_240 : memref<1x10112xf32, #tpu.memory_space<hbm>> -> memref<10112xf32, #tpu.memory_space<hbm>>
      tpu.wait_dma2 semaphore(%arg15 : memref<!tpu.dma_semaphore, #tpu.memory_space<semaphore_mem>>) src(%dma_wait3A_241 : memref<10112xf32, #tpu.memory_space<hbm>>) dst(%arg12 : memref<10112xf32, #tpu.memory_space<vmem>>)
    } else {
    }
    %dma_wait3A = tpu.memref_slice %arg2[%mul3A_32] : memref<640000xi32, #tpu.memory_space<hbm>> -> memref<20000xi32, #tpu.memory_space<hbm>>
    %dma_wait3A_69 = tpu.memref_slice %arg2[%mul3A_32] : memref<640000xi32, #tpu.memory_space<hbm>> -> memref<20000xi32, #tpu.memory_space<hbm>>
    tpu.wait_dma2 semaphore(%arg15 : memref<!tpu.dma_semaphore, #tpu.memory_space<semaphore_mem>>) src(%dma_wait3A_69 : memref<20000xi32, #tpu.memory_space<hbm>>) dst(%arg5 : memref<20000xi32, #tpu.memory_space<vmem>>)
    %dma_wait3A_70 = tpu.memref_slice %arg2[%add3A_37] : memref<640000xi32, #tpu.memory_space<hbm>> -> memref<20000xi32, #tpu.memory_space<hbm>>
    %dma_wait3A_71 = tpu.memref_slice %arg2[%add3A_37] : memref<640000xi32, #tpu.memory_space<hbm>> -> memref<20000xi32, #tpu.memory_space<hbm>>
    tpu.wait_dma2 semaphore(%arg15 : memref<!tpu.dma_semaphore, #tpu.memory_space<semaphore_mem>>) src(%dma_wait3A_71 : memref<20000xi32, #tpu.memory_space<hbm>>) dst(%arg6 : memref<20000xi32, #tpu.memory_space<vmem>>)
    %dma_wait3A_72 = arith.constant 0 : i32
    %dma_wait3A_73 = arith.constant 0 : i32
    %dma_wait3A_74 = tpu.memref_slice %arg3[%dma_wait3A_72, %dma_wait3A_73] : memref<16x10112xf32, #tpu.memory_space<hbm>> -> memref<1x10112xf32, #tpu.memory_space<hbm>>
    %dma_wait3A_75 = tpu.memref_squeeze %dma_wait3A_74 : memref<1x10112xf32, #tpu.memory_space<hbm>> -> memref<10112xf32, #tpu.memory_space<hbm>>
    %dma_wait3A_76 = arith.constant 0 : i32
    %dma_wait3A_77 = tpu.memref_slice %arg3[%dma_wait3A_72, %dma_wait3A_76] : memref<16x10112xf32, #tpu.memory_space<hbm>> -> memref<1x10112xf32, #tpu.memory_space<hbm>>
    %dma_wait3A_78 = tpu.memref_squeeze %dma_wait3A_77 : memref<1x10112xf32, #tpu.memory_space<hbm>> -> memref<10112xf32, #tpu.memory_space<hbm>>
    tpu.wait_dma2 semaphore(%arg15 : memref<!tpu.dma_semaphore, #tpu.memory_space<semaphore_mem>>) src(%dma_wait3A_78 : memref<10112xf32, #tpu.memory_space<hbm>>) dst(%arg7 : memref<10112xf32, #tpu.memory_space<vmem>>)
    %dma_wait3A_79 = arith.constant 1 : i32
    %dma_wait3A_80 = arith.constant 0 : i32
    %dma_wait3A_81 = tpu.memref_slice %arg3[%dma_wait3A_79, %dma_wait3A_80] : memref<16x10112xf32, #tpu.memory_space<hbm>> -> memref<1x10112xf32, #tpu.memory_space<hbm>>
    %dma_wait3A_82 = tpu.memref_squeeze %dma_wait3A_81 : memref<1x10112xf32, #tpu.memory_space<hbm>> -> memref<10112xf32, #tpu.memory_space<hbm>>
    %dma_wait3A_83 = arith.constant 0 : i32
    %dma_wait3A_84 = tpu.memref_slice %arg3[%dma_wait3A_79, %dma_wait3A_83] : memref<16x10112xf32, #tpu.memory_space<hbm>> -> memref<1x10112xf32, #tpu.memory_space<hbm>>
    %dma_wait3A_85 = tpu.memref_squeeze %dma_wait3A_84 : memref<1x10112xf32, #tpu.memory_space<hbm>> -> memref<10112xf32, #tpu.memory_space<hbm>>
    tpu.wait_dma2 semaphore(%arg15 : memref<!tpu.dma_semaphore, #tpu.memory_space<semaphore_mem>>) src(%dma_wait3A_85 : memref<10112xf32, #tpu.memory_space<hbm>>) dst(%arg8 : memref<10112xf32, #tpu.memory_space<vmem>>)
    %dma_wait3A_86 = arith.constant 10 : i32
    %dma_wait3A_87 = arith.constant 0 : i32
    %dma_wait3A_88 = tpu.memref_slice %arg3[%dma_wait3A_86, %dma_wait3A_87] : memref<16x10112xf32, #tpu.memory_space<hbm>> -> memref<1x64xf32, #tpu.memory_space<hbm>>
    %dma_wait3A_89 = tpu.memref_squeeze %dma_wait3A_88 : memref<1x64xf32, #tpu.memory_space<hbm>> -> memref<64xf32, #tpu.memory_space<hbm>>
    %dma_wait3A_90 = arith.constant 0 : i32
    %dma_wait3A_91 = tpu.memref_slice %arg3[%dma_wait3A_86, %dma_wait3A_90] : memref<16x10112xf32, #tpu.memory_space<hbm>> -> memref<1x64xf32, #tpu.memory_space<hbm>>
    %dma_wait3A_92 = tpu.memref_squeeze %dma_wait3A_91 : memref<1x64xf32, #tpu.memory_space<hbm>> -> memref<64xf32, #tpu.memory_space<hbm>>
    tpu.wait_dma2 semaphore(%arg15 : memref<!tpu.dma_semaphore, #tpu.memory_space<semaphore_mem>>) src(%dma_wait3A_92 : memref<64xf32, #tpu.memory_space<hbm>>) dst(%arg13 : memref<64xf32, #tpu.memory_space<vmem>>)
    %get3A = arith.constant 16 : index
    %get3A_93 = tpu.vector_load %arg13[%get3A] {strides = array<i32>} : memref<64xf32, #tpu.memory_space<vmem>>, vector<16xf32>,
    %mul3A_94 = arith.constant 4 : i32
    %mul3A_95 = arith.muli %select_n3A_9, %mul3A_94 : i32
    %broadcast_in_dim3A = arith.constant 0 : i32
    %broadcast_in_dim3A_96 = vector.broadcast %broadcast_in_dim3A : i32 to vector<16xi32>
    %add3A_97 = vector.broadcast %mul3A_95 : i32 to vector<16xi32>
    %add3A_98 = arith.addi %broadcast_in_dim3A_96, %add3A_97 : vector<16xi32>
    %gather3A = tpu.vector_load_idx %arg13[%add3A_98] : memref<64xf32, #tpu.memory_space<vmem>>[vector<16xi32>], vector<16xf32>,
    %broadcast_in_dim3A_99 = arith.constant 1 : i32
    %broadcast_in_dim3A_100 = vector.broadcast %broadcast_in_dim3A_99 : i32 to vector<16xi32>
    %add3A_101 = vector.broadcast %mul3A_95 : i32 to vector<16xi32>
    %add3A_102 = arith.addi %broadcast_in_dim3A_100, %add3A_101 : vector<16xi32>
    %gather3A_103 = tpu.vector_load_idx %arg13[%add3A_102] : memref<64xf32, #tpu.memory_space<vmem>>[vector<16xi32>], vector<16xf32>,
    %broadcast_in_dim3A_104 = arith.constant 2 : i32
    %broadcast_in_dim3A_105 = vector.broadcast %broadcast_in_dim3A_104 : i32 to vector<16xi32>
    %add3A_106 = vector.broadcast %mul3A_95 : i32 to vector<16xi32>
    %add3A_107 = arith.addi %broadcast_in_dim3A_105, %add3A_106 : vector<16xi32>
    %gather3A_108 = tpu.vector_load_idx %arg13[%add3A_107] : memref<64xf32, #tpu.memory_space<vmem>>[vector<16xi32>], vector<16xf32>,
    %broadcast_in_dim3A_109 = arith.constant 3 : i32
    %broadcast_in_dim3A_110 = vector.broadcast %broadcast_in_dim3A_109 : i32 to vector<16xi32>
    %add3A_111 = vector.broadcast %mul3A_95 : i32 to vector<16xi32>
    %add3A_112 = arith.addi %broadcast_in_dim3A_110, %add3A_111 : vector<16xi32>
    %gather3A_113 = tpu.vector_load_idx %arg13[%add3A_112] : memref<64xf32, #tpu.memory_space<vmem>>[vector<16xi32>], vector<16xf32>,
    %broadcast_in_dim3A_114 = arith.constant 8 : i32
    %broadcast_in_dim3A_115 = vector.broadcast %broadcast_in_dim3A_114 : i32 to vector<16xi32>
    %add3A_116 = vector.broadcast %mul3A_95 : i32 to vector<16xi32>
    %add3A_117 = arith.addi %broadcast_in_dim3A_115, %add3A_116 : vector<16xi32>
    %gather3A_118 = tpu.vector_load_idx %arg13[%add3A_117] : memref<64xf32, #tpu.memory_space<vmem>>[vector<16xi32>], vector<16xf32>,
    %broadcast_in_dim3A_119 = arith.constant 9 : i32
    %broadcast_in_dim3A_120 = vector.broadcast %broadcast_in_dim3A_119 : i32 to vector<16xi32>
    %add3A_121 = vector.broadcast %mul3A_95 : i32 to vector<16xi32>
    %add3A_122 = arith.addi %broadcast_in_dim3A_120, %add3A_121 : vector<16xi32>
    %gather3A_123 = tpu.vector_load_idx %arg13[%add3A_122] : memref<64xf32, #tpu.memory_space<vmem>>[vector<16xi32>], vector<16xf32>,
    %broadcast_in_dim3A_124 = arith.constant 10 : i32
    %broadcast_in_dim3A_125 = vector.broadcast %broadcast_in_dim3A_124 : i32 to vector<16xi32>
    %add3A_126 = vector.broadcast %mul3A_95 : i32 to vector<16xi32>
    %add3A_127 = arith.addi %broadcast_in_dim3A_125, %add3A_126 : vector<16xi32>
    %gather3A_128 = tpu.vector_load_idx %arg13[%add3A_127] : memref<64xf32, #tpu.memory_space<vmem>>[vector<16xi32>], vector<16xf32>,
    %broadcast_in_dim3A_129 = arith.constant 11 : i32
    %broadcast_in_dim3A_130 = vector.broadcast %broadcast_in_dim3A_129 : i32 to vector<16xi32>
    %add3A_131 = vector.broadcast %mul3A_95 : i32 to vector<16xi32>
    %add3A_132 = arith.addi %broadcast_in_dim3A_130, %add3A_131 : vector<16xi32>
    %gather3A_133 = tpu.vector_load_idx %arg13[%add3A_132] : memref<64xf32, #tpu.memory_space<vmem>>[vector<16xi32>], vector<16xf32>,
    %broadcast_in_dim3A_134 = arith.constant 0.000000e+00 : f32
    %broadcast_in_dim3A_135 = vector.broadcast %broadcast_in_dim3A_134 : f32 to vector<16xf32>
    %broadcast_in_dim3A_136 = arith.constant 0.000000e+00 : f32
    %broadcast_in_dim3A_137 = vector.broadcast %broadcast_in_dim3A_136 : f32 to vector<16xf32>
    %broadcast_in_dim3A_138 = arith.constant 0.000000e+00 : f32
    %broadcast_in_dim3A_139 = vector.broadcast %broadcast_in_dim3A_138 : f32 to vector<16xf32>
    %broadcast_in_dim3A_140 = arith.constant 0.000000e+00 : f32
    %broadcast_in_dim3A_141 = vector.broadcast %broadcast_in_dim3A_140 : f32 to vector<16xf32>
    %broadcast_in_dim3A_142 = arith.constant 0.000000e+00 : f32
    %broadcast_in_dim3A_143 = vector.broadcast %broadcast_in_dim3A_142 : f32 to vector<16xf32>
    %broadcast_in_dim3A_144 = arith.constant 0.000000e+00 : f32
    %broadcast_in_dim3A_145 = vector.broadcast %broadcast_in_dim3A_144 : f32 to vector<16xf32>
    %broadcast_in_dim3A_146 = arith.constant 0.000000e+00 : f32
    %broadcast_in_dim3A_147 = vector.broadcast %broadcast_in_dim3A_146 : f32 to vector<16xf32>
    %broadcast_in_dim3A_148 = arith.constant 0.000000e+00 : f32
    %broadcast_in_dim3A_149 = vector.broadcast %broadcast_in_dim3A_148 : f32 to vector<16xf32>
    %broadcast_in_dim3A_150 = arith.constant 0.000000e+00 : f32
    %broadcast_in_dim3A_151 = vector.broadcast %broadcast_in_dim3A_150 : f32 to vector<16xf32>
    %broadcast_in_dim3A_152 = arith.constant 0.000000e+00 : f32
    %broadcast_in_dim3A_153 = vector.broadcast %broadcast_in_dim3A_152 : f32 to vector<16xf32>
    %broadcast_in_dim3A_154 = arith.constant 0.000000e+00 : f32
    %broadcast_in_dim3A_155 = vector.broadcast %broadcast_in_dim3A_154 : f32 to vector<16xf32>
    %broadcast_in_dim3A_156 = arith.constant 0.000000e+00 : f32
    %broadcast_in_dim3A_157 = vector.broadcast %broadcast_in_dim3A_156 : f32 to vector<16xf32>
    %parallel_loop3A = arith.constant 0 : i32
    %parallel_loop3A_158 = arith.constant 1250 : i32
    %parallel_loop3A_159 = arith.constant 1 : i32
    %parallel_loop3A_160:12 = scf.for %parallel_loop3A_186 = %parallel_loop3A to %parallel_loop3A_158 step %parallel_loop3A_159 iter_args(%parallel_loop3A_187 = %broadcast_in_dim3A_135, %parallel_loop3A_188 = %broadcast_in_dim3A_137, %parallel_loop3A_189 = %broadcast_in_dim3A_139, %parallel_loop3A_190 = %broadcast_in_dim3A_141, %parallel_loop3A_191 = %broadcast_in_dim3A_143, %parallel_loop3A_192 = %broadcast_in_dim3A_145, %parallel_loop3A_193 = %broadcast_in_dim3A_147, %parallel_loop3A_194 = %broadcast_in_dim3A_149, %parallel_loop3A_195 = %broadcast_in_dim3A_151, %parallel_loop3A_196 = %broadcast_in_dim3A_153, %parallel_loop3A_197 = %broadcast_in_dim3A_155, %parallel_loop3A_198 = %broadcast_in_dim3A_157) -> (vector<16xf32>, vector<16xf32>, vector<16xf32>, vector<16xf32>, vector<16xf32>, vector<16xf32>, vector<16xf32>, vector<16xf32>, vector<16xf32>, vector<16xf32>, vector<16xf32>, vector<16xf32>)  : i32 {
      %parallel_loop3A_199 = arith.constant 16 : i32
      %parallel_loop3A_200 = arith.muli %parallel_loop3A_186, %parallel_loop3A_199 : i32
      %parallel_loop3A_201 = arith.index_cast %parallel_loop3A_200 : i32 to index
      %parallel_loop3A_202 = tpu.vector_load %arg5[%parallel_loop3A_201] {strides = array<i32>} : memref<20000xi32, #tpu.memory_space<vmem>>, vector<16xi32>,
      %parallel_loop3A_203 = arith.constant 16 : i32
      %parallel_loop3A_204 = arith.muli %parallel_loop3A_186, %parallel_loop3A_203 : i32
      %parallel_loop3A_205 = arith.index_cast %parallel_loop3A_204 : i32 to index
      %parallel_loop3A_206 = tpu.vector_load %arg6[%parallel_loop3A_205] {strides = array<i32>} : memref<20000xi32, #tpu.memory_space<vmem>>, vector<16xi32>,
      %parallel_loop3A_207 = tpu.vector_load_idx %arg7[%parallel_loop3A_206] : memref<10112xf32, #tpu.memory_space<vmem>>[vector<16xi32>], vector<16xf32>,
      %parallel_loop3A_208 = tpu.vector_load_idx %arg8[%parallel_loop3A_206] : memref<10112xf32, #tpu.memory_space<vmem>>[vector<16xi32>], vector<16xf32>,
      %parallel_loop3A_209 = tpu.vector_load_idx %arg9[%parallel_loop3A_202] : memref<10112xf32, #tpu.memory_space<vmem>>[vector<16xi32>], vector<16xf32>,
      %parallel_loop3A_210 = arith.mulf %gather3A, %parallel_loop3A_207 : vector<16xf32>
      %parallel_loop3A_211 = arith.addf %parallel_loop3A_209, %parallel_loop3A_210 : vector<16xf32>
      %parallel_loop3A_212 = arith.mulf %gather3A_118, %parallel_loop3A_208 : vector<16xf32>
      %parallel_loop3A_213 = arith.addf %parallel_loop3A_211, %parallel_loop3A_212 : vector<16xf32>
      %parallel_loop3A_214 = arith.constant 2.000000e-01 : f32
      %parallel_loop3A_215 = vector.broadcast %parallel_loop3A_214 : f32 to vector<16xf32>
      %parallel_loop3A_216 = arith.mulf %parallel_loop3A_215, %parallel_loop3A_213 : vector<16xf32>
      %parallel_loop3A_217 = arith.maximumf %parallel_loop3A_213, %parallel_loop3A_216 : vector<16xf32>
      %parallel_loop3A_218 = arith.subf %parallel_loop3A_217, %get3A_93 : vector<16xf32>
      %parallel_loop3A_219 = math.exp %parallel_loop3A_218 : vector<16xf32>
      %parallel_loop3A_220 = arith.addf %parallel_loop3A_187, %parallel_loop3A_219 : vector<16xf32>
      %parallel_loop3A_221 = arith.mulf %parallel_loop3A_219, %parallel_loop3A_207 : vector<16xf32>
      %parallel_loop3A_222 = arith.addf %parallel_loop3A_188, %parallel_loop3A_221 : vector<16xf32>
      %parallel_loop3A_223 = arith.mulf %parallel_loop3A_219, %parallel_loop3A_208 : vector<16xf32>
      %parallel_loop3A_224 = arith.addf %parallel_loop3A_189, %parallel_loop3A_223 : vector<16xf32>
      %parallel_loop3A_225 = tpu.vector_load_idx %arg10[%parallel_loop3A_202] : memref<10112xf32, #tpu.memory_space<vmem>>[vector<16xi32>], vector<16xf32>,
      %parallel_loop3A_226 = arith.mulf %gather3A_103, %parallel_loop3A_207 : vector<16xf32>
      %parallel_loop3A_227 = arith.addf %parallel_loop3A_225, %parallel_loop3A_226 : vector<16xf32>
      %parallel_loop3A_228 = arith.mulf %gather3A_123, %parallel_loop3A_208 : vector<16xf32>
      %parallel_loop3A_229 = arith.addf %parallel_loop3A_227, %parallel_loop3A_228 : vector<16xf32>
      %parallel_loop3A_230 = arith.constant 2.000000e-01 : f32
      %parallel_loop3A_231 = vector.broadcast %parallel_loop3A_230 : f32 to vector<16xf32>
      %parallel_loop3A_232 = arith.mulf %parallel_loop3A_231, %parallel_loop3A_229 : vector<16xf32>
      %parallel_loop3A_233 = arith.maximumf %parallel_loop3A_229, %parallel_loop3A_232 : vector<16xf32>
      %parallel_loop3A_234 = arith.subf %parallel_loop3A_233, %get3A_93 : vector<16xf32>
      %parallel_loop3A_235 = math.exp %parallel_loop3A_234 : vector<16xf32>
      %parallel_loop3A_236 = arith.addf %parallel_loop3A_190, %parallel_loop3A_235 : vector<16xf32>
      %parallel_loop3A_237 = arith.mulf %parallel_loop3A_235, %parallel_loop3A_207 : vector<16xf32>
      %parallel_loop3A_238 = arith.addf %parallel_loop3A_191, %parallel_loop3A_237 : vector<16xf32>
      %parallel_loop3A_239 = arith.mulf %parallel_loop3A_235, %parallel_loop3A_208 : vector<16xf32>
      %parallel_loop3A_240 = arith.addf %parallel_loop3A_192, %parallel_loop3A_239 : vector<16xf32>
      %parallel_loop3A_241 = tpu.vector_load_idx %arg11[%parallel_loop3A_202] : memref<10112xf32, #tpu.memory_space<vmem>>[vector<16xi32>], vector<16xf32>,
      %parallel_loop3A_242 = arith.mulf %gather3A_108, %parallel_loop3A_207 : vector<16xf32>
      %parallel_loop3A_243 = arith.addf %parallel_loop3A_241, %parallel_loop3A_242 : vector<16xf32>
      %parallel_loop3A_244 = arith.mulf %gather3A_128, %parallel_loop3A_208 : vector<16xf32>
      %parallel_loop3A_245 = arith.addf %parallel_loop3A_243, %parallel_loop3A_244 : vector<16xf32>
      %parallel_loop3A_246 = arith.constant 2.000000e-01 : f32
      %parallel_loop3A_247 = vector.broadcast %parallel_loop3A_246 : f32 to vector<16xf32>
      %parallel_loop3A_248 = arith.mulf %parallel_loop3A_247, %parallel_loop3A_245 : vector<16xf32>
      %parallel_loop3A_249 = arith.maximumf %parallel_loop3A_245, %parallel_loop3A_248 : vector<16xf32>
      %parallel_loop3A_250 = arith.subf %parallel_loop3A_249, %get3A_93 : vector<16xf32>
      %parallel_loop3A_251 = math.exp %parallel_loop3A_250 : vector<16xf32>
      %parallel_loop3A_252 = arith.addf %parallel_loop3A_193, %parallel_loop3A_251 : vector<16xf32>
      %parallel_loop3A_253 = arith.mulf %parallel_loop3A_251, %parallel_loop3A_207 : vector<16xf32>
      %parallel_loop3A_254 = arith.addf %parallel_loop3A_194, %parallel_loop3A_253 : vector<16xf32>
      %parallel_loop3A_255 = arith.mulf %parallel_loop3A_251, %parallel_loop3A_208 : vector<16xf32>
      %parallel_loop3A_256 = arith.addf %parallel_loop3A_195, %parallel_loop3A_255 : vector<16xf32>
      %parallel_loop3A_257 = tpu.vector_load_idx %arg12[%parallel_loop3A_202] : memref<10112xf32, #tpu.memory_space<vmem>>[vector<16xi32>], vector<16xf32>,
      %parallel_loop3A_258 = arith.mulf %gather3A_113, %parallel_loop3A_207 : vector<16xf32>
      %parallel_loop3A_259 = arith.addf %parallel_loop3A_257, %parallel_loop3A_258 : vector<16xf32>
      %parallel_loop3A_260 = arith.mulf %gather3A_133, %parallel_loop3A_208 : vector<16xf32>
      %parallel_loop3A_261 = arith.addf %parallel_loop3A_259, %parallel_loop3A_260 : vector<16xf32>
      %parallel_loop3A_262 = arith.constant 2.000000e-01 : f32
      %parallel_loop3A_263 = vector.broadcast %parallel_loop3A_262 : f32 to vector<16xf32>
      %parallel_loop3A_264 = arith.mulf %parallel_loop3A_263, %parallel_loop3A_261 : vector<16xf32>
      %parallel_loop3A_265 = arith.maximumf %parallel_loop3A_261, %parallel_loop3A_264 : vector<16xf32>
      %parallel_loop3A_266 = arith.subf %parallel_loop3A_265, %get3A_93 : vector<16xf32>
      %parallel_loop3A_267 = math.exp %parallel_loop3A_266 : vector<16xf32>
      %parallel_loop3A_268 = arith.addf %parallel_loop3A_196, %parallel_loop3A_267 : vector<16xf32>
      %parallel_loop3A_269 = arith.mulf %parallel_loop3A_267, %parallel_loop3A_207 : vector<16xf32>
      %parallel_loop3A_270 = arith.addf %parallel_loop3A_197, %parallel_loop3A_269 : vector<16xf32>
      %parallel_loop3A_271 = arith.mulf %parallel_loop3A_267, %parallel_loop3A_208 : vector<16xf32>
      %parallel_loop3A_272 = arith.addf %parallel_loop3A_198, %parallel_loop3A_271 : vector<16xf32>
      scf.yield %parallel_loop3A_220, %parallel_loop3A_222, %parallel_loop3A_224, %parallel_loop3A_236, %parallel_loop3A_238, %parallel_loop3A_240, %parallel_loop3A_252, %parallel_loop3A_254, %parallel_loop3A_256, %parallel_loop3A_268, %parallel_loop3A_270, %parallel_loop3A_272 : vector<16xf32>, vector<16xf32>, vector<16xf32>, vector<16xf32>, vector<16xf32>, vector<16xf32>, vector<16xf32>, vector<16xf32>, vector<16xf32>, vector<16xf32>, vector<16xf32>, vector<16xf32>
    } {sc.loop_unroll_factor = 2 : i64, sc.parallel_access}
    %swap3A = arith.constant 0 : index
    %swap3A_161 = tpu.vector_load %arg14[%swap3A] {strides = array<i32>} : memref<192xf32, #tpu.memory_space<vmem>>, vector<16xf32>,
    tpu.vector_store %arg14[%swap3A], %parallel_loop3A_160#0 {strides = array<i32>} : memref<192xf32, #tpu.memory_space<vmem>>, vector<16xf32>,
    %swap3A_162 = arith.constant 64 : index
    %swap3A_163 = tpu.vector_load %arg14[%swap3A_162] {strides = array<i32>} : memref<192xf32, #tpu.memory_space<vmem>>, vector<16xf32>,
    tpu.vector_store %arg14[%swap3A_162], %parallel_loop3A_160#1 {strides = array<i32>} : memref<192xf32, #tpu.memory_space<vmem>>, vector<16xf32>,
    %swap3A_164 = arith.constant 128 : index
    %swap3A_165 = tpu.vector_load %arg14[%swap3A_164] {strides = array<i32>} : memref<192xf32, #tpu.memory_space<vmem>>, vector<16xf32>,
    tpu.vector_store %arg14[%swap3A_164], %parallel_loop3A_160#2 {strides = array<i32>} : memref<192xf32, #tpu.memory_space<vmem>>, vector<16xf32>,
    %swap3A_166 = arith.constant 16 : index
    %swap3A_167 = tpu.vector_load %arg14[%swap3A_166] {strides = array<i32>} : memref<192xf32, #tpu.memory_space<vmem>>, vector<16xf32>,
    tpu.vector_store %arg14[%swap3A_166], %parallel_loop3A_160#3 {strides = array<i32>} : memref<192xf32, #tpu.memory_space<vmem>>, vector<16xf32>,
    %swap3A_168 = arith.constant 80 : index
    %swap3A_169 = tpu.vector_load %arg14[%swap3A_168] {strides = array<i32>} : memref<192xf32, #tpu.memory_space<vmem>>, vector<16xf32>,
    tpu.vector_store %arg14[%swap3A_168], %parallel_loop3A_160#4 {strides = array<i32>} : memref<192xf32, #tpu.memory_space<vmem>>, vector<16xf32>,
    %swap3A_170 = arith.constant 144 : index
    %swap3A_171 = tpu.vector_load %arg14[%swap3A_170] {strides = array<i32>} : memref<192xf32, #tpu.memory_space<vmem>>, vector<16xf32>,
    tpu.vector_store %arg14[%swap3A_170], %parallel_loop3A_160#5 {strides = array<i32>} : memref<192xf32, #tpu.memory_space<vmem>>, vector<16xf32>,
    %swap3A_172 = arith.constant 32 : index
    %swap3A_173 = tpu.vector_load %arg14[%swap3A_172] {strides = array<i32>} : memref<192xf32, #tpu.memory_space<vmem>>, vector<16xf32>,
    tpu.vector_store %arg14[%swap3A_172], %parallel_loop3A_160#6 {strides = array<i32>} : memref<192xf32, #tpu.memory_space<vmem>>, vector<16xf32>,
    %swap3A_174 = arith.constant 96 : index
    %swap3A_175 = tpu.vector_load %arg14[%swap3A_174] {strides = array<i32>} : memref<192xf32, #tpu.memory_space<vmem>>, vector<16xf32>,
    tpu.vector_store %arg14[%swap3A_174], %parallel_loop3A_160#7 {strides = array<i32>} : memref<192xf32, #tpu.memory_space<vmem>>, vector<16xf32>,
    %swap3A_176 = arith.constant 160 : index
    %swap3A_177 = tpu.vector_load %arg14[%swap3A_176] {strides = array<i32>} : memref<192xf32, #tpu.memory_space<vmem>>, vector<16xf32>,
    tpu.vector_store %arg14[%swap3A_176], %parallel_loop3A_160#8 {strides = array<i32>} : memref<192xf32, #tpu.memory_space<vmem>>, vector<16xf32>,
    %swap3A_178 = arith.constant 48 : index
    %swap3A_179 = tpu.vector_load %arg14[%swap3A_178] {strides = array<i32>} : memref<192xf32, #tpu.memory_space<vmem>>, vector<16xf32>,
    tpu.vector_store %arg14[%swap3A_178], %parallel_loop3A_160#9 {strides = array<i32>} : memref<192xf32, #tpu.memory_space<vmem>>, vector<16xf32>,
    %swap3A_180 = arith.constant 112 : index
    %swap3A_181 = tpu.vector_load %arg14[%swap3A_180] {strides = array<i32>} : memref<192xf32, #tpu.memory_space<vmem>>, vector<16xf32>,
    tpu.vector_store %arg14[%swap3A_180], %parallel_loop3A_160#10 {strides = array<i32>} : memref<192xf32, #tpu.memory_space<vmem>>, vector<16xf32>,
    %swap3A_182 = arith.constant 176 : index
    %swap3A_183 = tpu.vector_load %arg14[%swap3A_182] {strides = array<i32>} : memref<192xf32, #tpu.memory_space<vmem>>, vector<16xf32>,
    tpu.vector_store %arg14[%swap3A_182], %parallel_loop3A_160#11 {strides = array<i32>} : memref<192xf32, #tpu.memory_space<vmem>>, vector<16xf32>,
    %mul3A_184 = arith.constant 192 : i32
    %mul3A_185 = arith.muli %add3A, %mul3A_184 : i32
    "tpu.region"() ({
      %run_scoped3A = tpu.sem_alloc : memref<!tpu.dma_semaphore, #tpu.memory_space<semaphore_mem>>
      %dma_start3A_186 = tpu.memref_slice %arg4[%mul3A_185] : memref<6144xf32, #tpu.memory_space<hbm>> -> memref<192xf32, #tpu.memory_space<hbm>>
      %dma_start3A_187 = tpu.memref_slice %arg4[%mul3A_185] : memref<6144xf32, #tpu.memory_space<hbm>> -> memref<192xf32, #tpu.memory_space<hbm>>
      tpu.enqueue_dma source(%arg14 : memref<192xf32, #tpu.memory_space<vmem>>) target(%dma_start3A_187 : memref<192xf32, #tpu.memory_space<hbm>>) target_semaphore(%run_scoped3A : memref<!tpu.dma_semaphore, #tpu.memory_space<semaphore_mem>>)
      %dma_wait3A_188 = tpu.memref_slice %arg4[%mul3A_185] : memref<6144xf32, #tpu.memory_space<hbm>> -> memref<192xf32, #tpu.memory_space<hbm>>
      %dma_wait3A_189 = tpu.memref_slice %arg4[%mul3A_185] : memref<6144xf32, #tpu.memory_space<hbm>> -> memref<192xf32, #tpu.memory_space<hbm>>
      tpu.wait_dma2 semaphore(%run_scoped3A : memref<!tpu.dma_semaphore, #tpu.memory_space<semaphore_mem>>) src(%arg14 : memref<192xf32, #tpu.memory_space<vmem>>) dst(%dma_wait3A_189 : memref<192xf32, #tpu.memory_space<hbm>>)
      tpu.yield
    }) : () -> ()
    return
  }
}

module attributes {stable_mosaic.version = 14 : i64} {
  func.func @_prologue_body(%arg0: memref<10000x128xf32, #tpu.memory_space<vmem>>, %arg1: memref<2x128xf32, #tpu.memory_space<vmem>>, %arg2: memref<8x4xf32, #tpu.memory_space<vmem>>, %arg3: memref<16x10112xf32, #tpu.memory_space<vmem>>) attributes {dimension_semantics = [], scalar_prefetch = 0 : i64, scratch_operands = 0 : i64, tpu.core_type = #tpu.core_type<tc>} {
    %get3A = arith.constant 0 : index
    %get3A_0 = arith.constant 0 : index
    %get3A_1 = vector.load %arg0[%get3A, %get3A_0] : memref<10000x128xf32, #tpu.memory_space<vmem>>, vector<10000x128xf32>
    %get3A_2 = arith.constant 0 : index
    %get3A_3 = arith.constant 0 : index
    %get3A_4 = vector.load %arg1[%get3A_2, %get3A_3] : memref<2x128xf32, #tpu.memory_space<vmem>>, vector<2x128xf32>
    %get3A_5 = arith.constant 0 : index
    %get3A_6 = arith.constant 0 : index
    %get3A_7 = vector.load %arg2[%get3A_5, %get3A_6] : memref<8x4xf32, #tpu.memory_space<vmem>>, vector<8x4xf32>
    %slice3A = vector.extract_strided_slice %get3A_7 {offsets = [0, 0], sizes = [8, 2], strides = [1, 1]} : vector<8x4xf32> to vector<8x2xf32>
    %dot_general3A = arith.constant dense<0.000000e+00> : vector<8x128xf32>
    %dot_general3A_8 = tpu.matmul %slice3A, %get3A_4, %dot_general3A {dimension_numbers = #tpu.dot_dimension_numbers<[1], [0], [0], [1], [0, 0, 1, 1], [], []>, transpose_lhs_hint = false} : vector<8x2xf32>, vector<2x128xf32>, vector<8x128xf32> -> vector<8x128xf32>
    %slice3A_9 = vector.extract_strided_slice %get3A_7 {offsets = [0, 2], sizes = [8, 2], strides = [1, 1]} : vector<8x4xf32> to vector<8x2xf32>
    %dot_general3A_10 = arith.constant dense<0.000000e+00> : vector<8x128xf32>
    %dot_general3A_11 = tpu.matmul %slice3A_9, %get3A_4, %dot_general3A_10 {dimension_numbers = #tpu.dot_dimension_numbers<[1], [0], [0], [1], [0, 0, 1, 1], [], []>, transpose_lhs_hint = false} : vector<8x2xf32>, vector<2x128xf32>, vector<8x128xf32> -> vector<8x128xf32>
    %concatenate3A = tpu.concatenate %get3A_4, %dot_general3A_8, %dot_general3A_11 in 0 : vector<2x128xf32>, vector<8x128xf32>, vector<8x128xf32> -> vector<18x128xf32>
    %dot_general3A_12 = arith.constant dense<0.000000e+00> : vector<18x10000xf32>
    %dot_general3A_13 = tpu.matmul %concatenate3A, %get3A_1, %dot_general3A_12 {dimension_numbers = #tpu.dot_dimension_numbers<[1], [1], [0], [0], [0, 0, 1, 0], [], []>, transpose_lhs_hint = false} : vector<18x128xf32>, vector<10000x128xf32>, vector<18x10000xf32> -> vector<18x10000xf32>
    %slice3A_14 = vector.extract_strided_slice %dot_general3A_13 {offsets = [0, 0], sizes = [10, 10000], strides = [1, 1]} : vector<18x10000xf32> to vector<10x10000xf32>
    %swap3A = arith.constant 0 : index
    %swap3A_15 = arith.constant 0 : index
    %swap3A_16 = vector.load %arg3[%swap3A, %swap3A_15] : memref<16x10112xf32, #tpu.memory_space<vmem>>, vector<10x10000xf32>
    tpu.vector_store %arg3[%swap3A, %swap3A_15], %slice3A_14 {strides = array<i32>} : memref<16x10112xf32, #tpu.memory_space<vmem>>, vector<10x10000xf32>,
    %slice3A_17 = vector.extract_strided_slice %dot_general3A_13 {offsets = [2, 0], sizes = [8, 10000], strides = [1, 1]} : vector<18x10000xf32> to vector<8x10000xf32>
    %slice3A_18 = vector.extract_strided_slice %dot_general3A_13 {offsets = [10, 0], sizes = [8, 10000], strides = [1, 1]} : vector<18x10000xf32> to vector<8x10000xf32>
    %reduce_max3A = arith.constant dense<0xFF800000> : vector<8xf32>
    %reduce_max3A_19 = vector.multi_reduction <maximumf>, %slice3A_17, %reduce_max3A [1] : vector<8x10000xf32> to vector<8xf32>
    %reduce_max3A_20 = arith.constant dense<0xFF800000> : vector<8xf32>
    %reduce_max3A_21 = vector.multi_reduction <maximumf>, %slice3A_18, %reduce_max3A_20 [1] : vector<8x10000xf32> to vector<8xf32>
    %add3A = arith.addf %reduce_max3A_19, %reduce_max3A_21 : vector<8xf32>
    %mul3A = arith.constant 2.000000e-01 : f32
    %mul3A_22 = vector.broadcast %mul3A : f32 to vector<8xf32>
    %mul3A_23 = arith.mulf %mul3A_22, %add3A : vector<8xf32>
    %max3A = arith.maximumf %add3A, %mul3A_23 : vector<8xf32>
    %reduce_max3A_24 = vector.shape_cast %max3A : vector<8xf32> to vector<1x8xf32>
    %reduce_max3A_25 = arith.constant dense<0xFF800000> : vector<1xf32>
    %reduce_max3A_26 = vector.multi_reduction <maximumf>, %reduce_max3A_24, %reduce_max3A_25 [1] : vector<1x8xf32> to vector<1xf32>
    %reduce_max3A_27 = vector.shape_cast %reduce_max3A_26 : vector<1xf32> to vector<1x1xf32>
    %reduce_max3A_28 = vector.extract %reduce_max3A_27[0, 0] : f32 from vector<1x1xf32>
    %slice3A_29 = vector.extract_strided_slice %get3A_7 {offsets = [0, 2], sizes = [8, 1], strides = [1, 1]} : vector<8x4xf32> to vector<8x1xf32>
    %squeeze3A = vector.shape_cast %slice3A_29 : vector<8x1xf32> to vector<8xf32>
    %swap3A_30 = arith.constant 10 : index
    %swap3A_31 = arith.constant 0 : index
    %swap3A_32 = vector.load %arg3[%swap3A_30, %swap3A_31] : memref<16x10112xf32, #tpu.memory_space<vmem>>, vector<1x8xf32>
    %swap3A_33 = vector.shape_cast %swap3A_32 : vector<1x8xf32> to vector<8xf32>
    %swap3A_34 = vector.shape_cast %squeeze3A : vector<8xf32> to vector<1x8xf32>
    tpu.vector_store %arg3[%swap3A_30, %swap3A_31], %swap3A_34 {strides = array<i32>} : memref<16x10112xf32, #tpu.memory_space<vmem>>, vector<1x8xf32>,
    %slice3A_35 = vector.extract_strided_slice %get3A_7 {offsets = [0, 3], sizes = [8, 1], strides = [1, 1]} : vector<8x4xf32> to vector<8x1xf32>
    %squeeze3A_36 = vector.shape_cast %slice3A_35 : vector<8x1xf32> to vector<8xf32>
    %swap3A_37 = arith.constant 10 : index
    %swap3A_38 = arith.constant 8 : index
    %swap3A_39 = vector.load %arg3[%swap3A_37, %swap3A_38] : memref<16x10112xf32, #tpu.memory_space<vmem>>, vector<1x8xf32>
    %swap3A_40 = vector.shape_cast %swap3A_39 : vector<1x8xf32> to vector<8xf32>
    %swap3A_41 = vector.shape_cast %squeeze3A_36 : vector<8xf32> to vector<1x8xf32>
    tpu.vector_store %arg3[%swap3A_37, %swap3A_38], %swap3A_41 {strides = array<i32>} : memref<16x10112xf32, #tpu.memory_space<vmem>>, vector<1x8xf32>,
    %broadcast_in_dim3A = vector.broadcast %reduce_max3A_28 : f32 to vector<16xf32>
    %swap3A_42 = arith.constant 10 : index
    %swap3A_43 = arith.constant 16 : index
    %swap3A_44 = vector.load %arg3[%swap3A_42, %swap3A_43] : memref<16x10112xf32, #tpu.memory_space<vmem>>, vector<1x16xf32>
    %swap3A_45 = vector.shape_cast %swap3A_44 : vector<1x16xf32> to vector<16xf32>
    %swap3A_46 = vector.shape_cast %broadcast_in_dim3A : vector<16xf32> to vector<1x16xf32>
    tpu.vector_store %arg3[%swap3A_42, %swap3A_43], %swap3A_46 {strides = array<i32>} : memref<16x10112xf32, #tpu.memory_space<vmem>>, vector<1x16xf32>,
    return
  }
}

module attributes {stable_mosaic.version = 14 : i64} {
  func.func @_epilogue_body(%arg0: memref<16x2x12x16xf32, #tpu.memory_space<vmem>>, %arg1: memref<2x8xf32, #tpu.memory_space<vmem>>) attributes {dimension_semantics = [], scalar_prefetch = 0 : i64, scratch_operands = 0 : i64, tpu.core_type = #tpu.core_type<tc>} {
    %get3A = arith.constant 0 : index
    %get3A_0 = arith.constant 0 : index
    %get3A_1 = arith.constant 0 : index
    %get3A_2 = arith.constant 0 : index
    %get3A_3 = vector.load %arg0[%get3A, %get3A_0, %get3A_1, %get3A_2] : memref<16x2x12x16xf32, #tpu.memory_space<vmem>>, vector<16x2x12x16xf32>
    %reduce_sum3A = arith.constant dense<0.000000e+00> : vector<16x2x12xf32>
    %reduce_sum3A_4 = vector.multi_reduction <add>, %get3A_3, %reduce_sum3A [3] : vector<16x2x12x16xf32> to vector<16x2x12xf32>
    %reduce_sum3A_5 = arith.constant dense<0.000000e+00> : vector<2x12xf32>
    %reduce_sum3A_6 = vector.multi_reduction <add>, %reduce_sum3A_4, %reduce_sum3A_5 [0] : vector<16x2x12xf32> to vector<2x12xf32>
    %slice3A = vector.extract_strided_slice %reduce_sum3A_6 {offsets = [0, 0], sizes = [1, 4], strides = [1, 1]} : vector<2x12xf32> to vector<1x4xf32>
    %squeeze3A = vector.shape_cast %slice3A : vector<1x4xf32> to vector<4xf32>
    %slice3A_7 = vector.extract_strided_slice %reduce_sum3A_6 {offsets = [1, 0], sizes = [1, 4], strides = [1, 1]} : vector<2x12xf32> to vector<1x4xf32>
    %squeeze3A_8 = vector.shape_cast %slice3A_7 : vector<1x4xf32> to vector<4xf32>
    %concatenate3A = tpu.concatenate %squeeze3A, %squeeze3A_8 in 0 : vector<4xf32>, vector<4xf32> -> vector<8xf32>
    %slice3A_9 = vector.extract_strided_slice %reduce_sum3A_6 {offsets = [0, 4], sizes = [1, 4], strides = [1, 1]} : vector<2x12xf32> to vector<1x4xf32>
    %squeeze3A_10 = vector.shape_cast %slice3A_9 : vector<1x4xf32> to vector<4xf32>
    %slice3A_11 = vector.extract_strided_slice %reduce_sum3A_6 {offsets = [1, 4], sizes = [1, 4], strides = [1, 1]} : vector<2x12xf32> to vector<1x4xf32>
    %squeeze3A_12 = vector.shape_cast %slice3A_11 : vector<1x4xf32> to vector<4xf32>
    %concatenate3A_13 = tpu.concatenate %squeeze3A_10, %squeeze3A_12 in 0 : vector<4xf32>, vector<4xf32> -> vector<8xf32>
    %slice3A_14 = vector.extract_strided_slice %reduce_sum3A_6 {offsets = [0, 8], sizes = [1, 4], strides = [1, 1]} : vector<2x12xf32> to vector<1x4xf32>
    %squeeze3A_15 = vector.shape_cast %slice3A_14 : vector<1x4xf32> to vector<4xf32>
    %slice3A_16 = vector.extract_strided_slice %reduce_sum3A_6 {offsets = [1, 8], sizes = [1, 4], strides = [1, 1]} : vector<2x12xf32> to vector<1x4xf32>
    %squeeze3A_17 = vector.shape_cast %slice3A_16 : vector<1x4xf32> to vector<4xf32>
    %concatenate3A_18 = tpu.concatenate %squeeze3A_15, %squeeze3A_17 in 0 : vector<4xf32>, vector<4xf32> -> vector<8xf32>
    %div3A = arith.divf %concatenate3A_13, %concatenate3A : vector<8xf32>
    %div3A_19 = arith.divf %concatenate3A_18, %concatenate3A : vector<8xf32>
    %stack3A = vector.shape_cast %div3A : vector<8xf32> to vector<1x8xf32>
    %stack3A_20 = vector.shape_cast %div3A_19 : vector<8xf32> to vector<1x8xf32>
    %stack3A_21 = tpu.concatenate %stack3A, %stack3A_20 in 0 : vector<1x8xf32>, vector<1x8xf32> -> vector<2x8xf32>
    %logistic3A = arith.negf %stack3A_21 : vector<2x8xf32>
    %logistic3A_22 = math.exp %logistic3A : vector<2x8xf32>
    %logistic3A_23 = arith.constant 1.000000e+00 : f32
    %logistic3A_24 = vector.broadcast %logistic3A_23 : f32 to vector<2x8xf32>
    %logistic3A_25 = arith.addf %logistic3A_24, %logistic3A_22 : vector<2x8xf32>
    %logistic3A_26 = arith.divf %logistic3A_24, %logistic3A_25 : vector<2x8xf32>
    %swap3A = arith.constant 0 : index
    %swap3A_27 = arith.constant 0 : index
    %swap3A_28 = vector.load %arg1[%swap3A, %swap3A_27] : memref<2x8xf32, #tpu.memory_space<vmem>>, vector<2x8xf32>
    tpu.vector_store %arg1[%swap3A, %swap3A_27], %logistic3A_26 {strides = array<i32>} : memref<2x8xf32, #tpu.memory_space<vmem>>, vector<2x8xf32>,
    return
  }
}

</mosaic_0001>

<sc_bundles>
// kernel: kernel.5.cloned.1.call-start
scs
__scs_entry_jumppad:
0x0: {  	(pc) =	sbr.rel $0x88, $3  }
0x1: {  	(tag) =	ssettag $0x0;
	lr =	simm.s32 $0x1  }
0x2: {  	[smem:$0x3F9D] =	sst lr;
	_ =	strace $0xD0000000  }
0x3: {  	_ = 	snop  }
0x4: {  	_ = 	snop  }
0x5: {  	_ = 	snop  }
0x6: {  	_ = 	snop  }
0x7: {  	_ = 	snop  }
__scs_overlays_trampoline_lowered:
0x8: {  	[smem:$0x3FAC] =	sst s0  }
0x9: {  	[smem:$0x3FAD] =	sst s1  }
0xa: {  	[smem:$0x3FAE] =	sst s2  }
0xb: {  	[smem:$0x3FAF] =	sst s3  }
0xc: {  	[smem:$0x3FB0] =	sst s4  }
0xd: {  	[smem:$0x3FB1] =	sst s5  }
0xe: {  	[smem:$0x3FB2] =	sst s6  }
0xf: {  	[smem:$0x3FB3] =	sst s7  }
0x10: {  	[smem:$0x3FB4] =	sst s8  }
0x11: {  	[smem:$0x3FB5] =	sst s9;
	s0 =	simm.s32 @!p0 $0x0  }
0x12: {  	s1 =	sld [smem:$0x3F9B];
	s0 =	simm.s32 @p0 $0x1  }
0x13: {  	[smem:$0x3FB6] =	sst s0;
	s0 =	simm.s32 @!p1 $0x0  }
0x14: {  	s2 =	sld [smem:$0x3F9A];
	s0 =	simm.s32 @p1 $0x1  }
0x15: {  	[smem:$0x3FB7] =	sst s0;
	s0 =	simm.s32 @!p2 $0x0  }
0x16: {  	s3 =	sld [smem:$0x3FDB];
	s0 =	simm.s32 @p2 $0x1  }
0x17: {  	s4 =	simm.s32 $0x1BF5;
	[smem:$0x3FB9] =	sst s0  }
0x18: {  	s0 =	sld [smem:$0x3F9C];
	_ =	swait.ge [sflag:s4], $0x0  }
0x19: {  	s7 =	sld [smem:$0x3F9D]  }
0x1a: {  	s8 =	sadd.s32 $0xFFFFE003, lr  }
0x1b: {  	s9 =	sadd.s32 $0xFFFFFEF7, lr;
	s5 =	simm.s32 $0xFFFFFFFF;
	p2 =	slt.u32 s8, $0xFFFFF086  }
0x1c: {  	p1 =	slt.u32 s9, $0xF7A;
	s5 =	simm.s32 @!p2 $0x0  }
0x1d: {  	s5 =	simm.s32 @p1 $0x1;
	p0 =	seq.s32 s7, s2  }
0x1e: {  	s7 =	smul.u32 @!p0 $0xF7A, s2;
	p2 =	seq.s32 @!p0 s5, $0x0  }
0x1f: {  	s9 =	smul.u32 $0xF7A, s1;
	s8 =	simm.s32 @!p0 $0x1BF5;
	p2 =	por !p2, p0  }
0x20: {  	[sflag:s8] =	ssyncset.s32 @!p0 $0xFFFFF086;
	s6 =	sadd.s32 @!p0 s3, s7;
	s7 =	simm.s32 @!p0 $0x108  }
0x21: {  	s3 =	sadd.s32 s3, s9;
	s6 =	sadd.s32 @!p0 $0x88, s6;
	s7 =	simm.s32 @p2 $0x1082  }
0x22: {  	[simem:s7], [sflag:s8] =	dma.local @!p0 [hbm:s6], $0xF7A  }
0x23: {  	s9 =	sor.u32 $0xD0000000, s2;
	s6 =	simm.s32 $0x108;
	_ =	swait.ge @!p0 [sflag:s8], $0x0  }
0x24: {  	s3 =	sadd.s32 $0x88, s3;
	s6 =	simm.s32 @!p1 $0x1082;
	[sflag:s4] =	ssyncset.s32 $0xFFFFF086  }
0x25: {  	[simem:s6], [sflag:s4] =	dma.local [hbm:s3], $0xF7A  }
0x26: {  	[smem:$0x3F9D] =	sst s1;
	(tag) =	ssettag s2;
	_ =	strace s9  }
0x27: {  	s1 =	sld [smem:$0x3FAD]  }
0x28: {  	s2 =	sld [smem:$0x3FAE]  }
0x29: {  	s4 =	sld [smem:$0x3FB0]  }
0x2a: {  	p0 =	seq.s32 s5, $0x0;
	s5 =	sld [smem:$0x3FB1]  }
0x2b: {  	s6 =	sld [smem:$0x3FB2]  }
0x2c: {  	s7 =	sld [smem:$0x3FB3]  }
0x2d: {  	s3 =	simm.s32 $0x108;
	s8 =	sld [smem:$0x3FB4]  }
0x2e: {  	s3 =	simm.s32 @!p0 $0x1082;
	s9 =	sld [smem:$0x3FB5]  }
0x2f: {  	lr =	sadd.s32 s0, s3;
	s0 =	sld [smem:$0x3FAC]  }
0x30: {  	s3 =	sld [smem:$0x3FAF]  }
0x31: {  	[smem:$0x3FB8] =	sst s10  }
0x32: {  	s10 =	sld [smem:$0x3FB6];
	_ =	sdelay $0x3  }
0x33: {  	p0 =	seq.s32 s10, $0x1;
	s10 =	sld [smem:$0x3FB8];
	_ =	sdelay $0x3  }
0x34: {  	[smem:$0x3FB8] =	sst s10  }
0x35: {  	s10 =	sld [smem:$0x3FB7];
	_ =	sdelay $0x3  }
0x36: {  	p1 =	seq.s32 s10, $0x1;
	s10 =	sld [smem:$0x3FB8];
	_ =	sdelay $0x3  }
0x37: {  	[smem:$0x3FB8] =	sst s10  }
0x38: {  	s10 =	sld [smem:$0x3FB9]  }
0x39: {  	_ = 	snop;
	(pc) =	sbr.ind lr, $3  }
0x3a: {  	_ = 	snop  }
0x3b: {  	_ = 	snop  }
0x3c: {  	p2 =	seq.s32 s10, $0x1;
	s10 =	sld [smem:$0x3FB8]  }
0x3d: {  	_ =	shalt  }
0x3e: {  	_ =	shalt  }
0x3f: {  	_ =	shalt  }
0x40: {  	_ =	shalt  }
0x41: {  	_ =	shalt  }
0x42: {  	_ =	shalt  }
0x43: {  	_ =	shalt  }
0x44: {  	_ =	shalt  }
0x45: {  	_ =	shalt  }
0x46: {  	_ =	shalt  }
0x47: {  	_ =	shalt  }
0x48: {  	_ =	shalt  }
0x49: {  	_ =	shalt  }
0x4a: {  	_ =	shalt  }
0x4b: {  	_ =	shalt  }
0x4c: {  	_ =	shalt  }
0x4d: {  	_ =	shalt  }
0x4e: {  	_ =	shalt  }
0x4f: {  	_ =	shalt  }
0x50: {  	_ =	shalt  }
0x51: {  	_ =	shalt  }
0x52: {  	_ =	shalt  }
0x53: {  	_ =	shalt  }
0x54: {  	_ =	shalt  }
0x55: {  	_ =	shalt  }
0x56: {  	_ =	shalt  }
0x57: {  	_ =	shalt  }
0x58: {  	_ =	shalt  }
0x59: {  	_ =	shalt  }
0x5a: {  	_ =	shalt  }
0x5b: {  	_ =	shalt  }
0x5c: {  	_ =	shalt  }
0x5d: {  	_ =	shalt  }
0x5e: {  	_ =	shalt  }
0x5f: {  	_ =	shalt  }
0x60: {  	_ =	shalt  }
0x61: {  	_ =	shalt  }
0x62: {  	_ =	shalt  }
0x63: {  	_ =	shalt  }
0x64: {  	_ =	shalt  }
0x65: {  	_ =	shalt  }
0x66: {  	_ =	shalt  }
0x67: {  	_ =	shalt  }
0x68: {  	_ =	shalt  }
0x69: {  	_ =	shalt  }
0x6a: {  	_ =	shalt  }
0x6b: {  	_ =	shalt  }
0x6c: {  	_ =	shalt  }
0x6d: {  	_ =	shalt  }
0x6e: {  	_ =	shalt  }
0x6f: {  	_ =	shalt  }
0x70: {  	_ =	shalt  }
0x71: {  	_ =	shalt  }
0x72: {  	_ =	shalt  }
0x73: {  	_ =	shalt  }
0x74: {  	_ =	shalt  }
0x75: {  	_ =	shalt  }
0x76: {  	_ =	shalt  }
0x77: {  	_ =	shalt  }
0x78: {  	_ =	shalt  }
0x79: {  	_ =	shalt  }
0x7a: {  	_ =	shalt  }
0x7b: {  	_ =	shalt  }
0x7c: {  	_ =	shalt  }
0x7d: {  	_ =	shalt  }
0x7e: {  	_ =	shalt  }
0x7f: {  	_ =	shalt  }
0x80: {  	_ =	shalt  }
0x81: {  	_ =	shalt  }
0x82: {  	_ =	shalt  }
0x83: {  	_ =	shalt  }
0x84: {  	_ =	shalt  }
0x85: {  	_ =	shalt  }
0x86: {  	_ =	shalt  }
0x87: {  	_ =	shalt  }
.Lfunc_end0:
.L_simem_size_0:
called_computation_lowered:
.L_overlay_start_0:
0x88: {  	s2 =	sld [smem:$0x3FD9]  }
0x89: {  	s3 =	sld [smem:$0x3FFE];
	_ =	sdelay $0x1  }
0x8a: {  	s1 =	srdreg.scid  }
0x8b: {  	s0 =	sand.u32 $0x1, s1  }
0x8c: {  	s16 =	sshll.u32 s0, $0xA;
	s2 =	sadd.s32 s3, s2  }
0x8d: {  	s2 =	sadd.s32 s2, s16  }
0x8e: {  	[smem:$0x3FC4] =	sst s2  }
0x8f: {  	_ = 	snop  }
0x90: {  	(tm) =	ssettm $0x1  }
0x91: {  	s17 =	sld [smem:$0x3FFB];
	_ =	sdelay $0x3  }
0x92: {  	_ =	strace s17  }
0x93: {  	s2 =	sld [smem:$0x3FFC];
	_ =	sdelay $0x3  }
0x94: {  	_ =	strace s2  }
0x95: {  	s2 =	sld [smem:$0x3FFD];
	_ =	sdelay $0x3  }
0x96: {  	_ =	strace s2  }
0x97: {  	_ =	strace $0x8FFFFFFF  }
0x98: {  	s18 =	sld [smem:$0x3FDB];
	_ =	sdelay $0x1  }
0x99: {  	s19 =	simm.s32 $_scs_section_size  }
0x9a: {  	s4 =	simm.s32 $_size__tile_overlayer_lowered;
	s5 =	simm.s32 $_tile_overlayer_lowered  }
0x9b: {  	s22 =	simm.s32 $0x1BFF;
	s21 =	sshll.u32 s5, $0x1;
	s2 =	sadd.s32 s19, s18  }
0x9c: {  	s6 =	simm.s32 $0x0;
	s20 =	sshll.u32 s4, $0x1;
	s4 =	sadd.s32 s21, s2  }
0x9d: {  	[timem:s6], [sflag:s22] =	dma.local [hbm:s4], s20  }
0x9e: {  	_ =	swait.ge [sflag:s22], s20  }
0x9f: {  	s3 =	ssub.s32 $0x0, s20;
	[sflag:s22] =	ssyncset.done $0x0  }
0xa0: {  	[sflag:s22] =	ssyncadd.s32 s3;
	_ =	sdelay $0x1  }
0xa1: {  	s23 =	simm.s32 $0x1B8B  }
0xa2: {  	_ =	swait.ge [sflag:s23], $0x1  }
0xa3: {  	[sflag:s23] =	ssyncset.done $0x0  }
0xa4: {  	s25 =	simm.s32 $0x1B8E;
	s24 =	sld [smem:$0x3FFE];
	[sflag:s23] =	ssyncadd.s32 $0xFFFFFFFF  }
0xa5: {  	s26 =	simm.s32 $execute0_lowered;
	[smem:$0x3FD2] =	sst s25  }
0xa6: {  	s4 =	sshll.u32 s26, $0x1;
	_ =	strace $0x80000046;
	[dreg:$0x1] =	wrdreg $0xFFFFFFFF  }
0xa7: {  	s28 =	simm.s32 $_size_execute0_lowered;
	s2 =	sadd.s32 s2, s4;
	[dreg:$0x0] =	wrdreg $0x0  }
0xa8: {  	s4 =	sshll.u32 s28, $0x1;
	[dreg:$0x2] =	wrdreg s2  }
0xa9: {  	[dreg:$0x3] =	wrdreg s4  }
0xaa: {  	[dreg:$0x4] =	wrdreg $0xC0  }
0xab: {  	_ =	task [dreg:s6], $0x5FFFF  }
0xac: {  	[dreg:$0x1] =	wrdreg $0xFFFFFFFF  }
0xad: {  	[dreg:$0x0] =	wrdreg $0x60  }
0xae: {  	[dreg:$0x2] =	wrdreg s24  }
0xaf: {  	[dreg:$0x3] =	wrdreg $0x9  }
0xb0: {  	_ =	task.clear_ibuf [dreg:s6], $0x4FFFF;
	_ =	strace $0x90000046  }
0xb1: {  	s29 =	simm.s32 $0x9;
	_ =	strace $0x80000048  }
0xb2: {  	_ =	swait.ge [sflag:s29], $0x1  }
0xb3: {  	[sflag:s29] =	ssyncadd.s32 $0xFFFFFFFF  }
0xb4: {  	_ =	strace $0x90000048  }
0xb5: {  	_ =	sfence  }
0xb6: {  	s30 =	sld [smem:$0x0];
	_ =	sdelay $0x2  }
0xb7: {  	s31 =	sshll.u32 s1, $0xD;
	s1 =	sshrl.u32 s1, $0x2  }
0xb8: {  	s3 =	sand.u32 $0x4000, s31;
	s1 =	sadd.s32 s1, s30  }
0xb9: {  	s0 =	sor.u32 s3, s0;
	s1 =	sshll.u32 s1, $0x11  }
0xba: {  	s0 =	sor.u32 s1, s0  }
0xbb: {  	s0 =	sadd.s32 $0x8F2B, s0  }
0xbc: {  	[sflag:s0] =	ssyncadd.remote.s32 $0x1  }
0xbd: {  	_ =	sfence.sel $0xFFFF  }
0xbe: {  	[dreg:$0x0] =	wrdreg $0xFFFFFFFF;
	(pc) =	sbr.abs _section_cstart, $3  }
0xbf: {  	[dreg:$0x1] =	wrdreg $0xFFFFFFFF  }
0xc0: {  	_ =	task.clear_ibuf [dreg:s6], $0x2FFFF;
	_ =	strace $0x9FFFFFFF  }
0xc1: {  	(tm) =	ssettm $0x7FFFFFFF  }
tec
execute0_lowered:
.L_overlay_start_1:
0x0: {  	(tag) =	ssettag $0x1  }
0x1: {  	s0 =	srdreg.scid  }
0x2: {  	s4 =	stileid.u32;
	s13 =	rddreg [dreg:$0x0];
	s3 =	simm.s32 $0x1  }
0x3: {  	s2 =	simm.s32 $0x0;
	s20 =	simm.s32 $0x80;
	s21 =	simm.s32 $0x400  }
0x4: {  	s22 =	simm.s32 $0x9D00;
	s23 =	simm.s32 $0xC480;
	s28 =	simm.s32 $0x13B00  }
0x5: {  	s29 =	simm.s32 $0x16280;
	s30 =	simm.s32 $0x18A80;
	s31 =	simm.s32 $0x2  }
0x6: {  	s0 =	sand.u32 $0x1, s0;
	s1 =	sshll.u32 s4, $0x1;
	[smem:$0x7FF] =	sst s2  }
0x7: {  	s6 =	sadd.s32 $0xA00, s13;
	s8 =	sadd.s32 $0x16BA0, s13;
	s9 =	sadd.s32 $0x14420, s13  }
0x8: {  	s10 =	sadd.s32 $0x14430, s13;
	s11 =	sadd.s32 $0x14440, s13;
	s12 =	sadd.s32 $0x14450, s13  }
0x9: {  	s14 =	sadd.s32 $0x14460, s13;
	s15 =	sadd.s32 $0x16B80, s13;
	s16 =	sadd.s32 $0x16B90, s13  }
0xa: {  	s1 =	sor.u32 s0, s1;
	p0 =	seq.s32 s0, $0x1;
	_ =	strace $0x80000047  }
0xb: {  	s24 =	ssub.s32 $0x2, s0;
	[dreg:$0x2] =	wrdreg s14;
	p1 =	seq.s32 s1, $0x0  }
0xc: {  	s14 =	sadd.s32 $0x14470, s13;
	s26 =	sshll.u32 s0, $0x2;
	p1 =	por !p1, !p0  }
0xd: {  	s1 =	smul.u32 $0x18, s1;
	s7 =	sshrl.u32 s24, $0x1;
	p1 =	por !p1, !p1  }
0xe: {  	v0 =	vmov s26;
	s26 =	simm.s32 $0x11380;
	s18 =	ssub.s32 s24, s7;
	s3 =	simm.s32 @!p1 $0x0  }
0xf: {  	v1 =	vor.u32 $0x1, v0;
	s24 =	simm.s32 $0x18A00;
	s1 =	sadd.s32 s1, s13;
	s3 =	ssub.s32 s4, s3  }
0x10: {  	s18 =	smax.u32 s18, $0x1;
	[tilespmem:$0x1FFB0] =	vst v1;
	v1 =	vor.u32 $0x2, v0;
	s17 =	sadd.s32 $0x19400, s1;
	s5 =	smul.u32 $0x4E20, s3  }
0x11: {  	p1 =	seq.s32 @!p0 s0, $0x0;
	[tilespmem:$0x1FFC0] =	vst v1;
	v1 =	vor.u32 $0x3, v0;
	s1 =	simm.s32 $0x0;
	s4 =	simm.s32 $0x1  }
0x12: {  	p1 =	por p0, !p1;
	[tilespmem:$0x1FFD0] =	vst v1;
	v1 =	vor.u32 $0x8, v0;
	s25 =	sadd.s32 $0x4E200, s5;
	s5 =	sshrl.u32 s5, $0x3  }
0x13: {  	s3 =	sadd.s32 $0x14400, s13;
	[tilespmem:$0x1FFE0] =	vst v1;
	v1 =	vor.u32 $0x9, v0;
	s7 =	sshrl.u32 s25, $0x3;
	s5 =	sadd.s32 s6, s5  }
0x14: {  	v6 =	vor.u32 $0xA, v0;
	v7 =	vor.u32 $0xB, v0;
	[tilespmem:$0x1FFF0] =	vst v1;
	s25 =	simm.s32 $0xEC00;
	s6 =	sadd.s32 s6, s7;
	s7 =	sadd.s32 $0x14410, s13  }
.LBB2_1:
0x15: {  	[tilespmem:s2], [sflag:$0x1] =	stream.linear.gather [hbm4b:s5+s2], $0x4E20, $0x38;
	[tilespmem:$0x18B80] =	vst v63  }
0x16: {  	s0 =	simm.s32 $0x4E80  }
0x17: {  	[tilespmem:s0], [sflag:$0x1] =	stream.linear.gather [hbm4b:s6+s2], $0x4E20, $0x38;
	[tilespmem:$0x18B80] =	vst v63  }
0x18: {  	_ = 	snop  }
0x19: {  	[tilespmem:s22], [sflag:$0x1] =	stream.strided.gather [hbm4b:s3+s20], $0x2780, s21, s20, $0x38;
	[tilespmem:$0x18B80] =	vst v63  }
0x1a: {  	_ = 	snop  }
0x1b: {  	[tilespmem:s23], [sflag:$0x1] =	stream.strided.gather [hbm4b:s7+s20], $0x2780, s21, s20, $0x38;
	[tilespmem:$0x18B80] =	vst v63  }
0x1c: {  	_ = 	snop  }
0x1d: {  	[tilespmem:s24], [sflag:$0x1] =	stream.linear.gather [hbm4b:s8+s2], $0x40, $0x38;
	[tilespmem:$0x18B80] =	vst v63  }
0x1e: {  	s13 =	simm.s32 @!p0 $0x400;
	s19 =	simm.s32 @!p0 $0xEC00;
	s0 =	simm.s32 @!p0 $0x80  }
0x1f: {  	[tilespmem:s19], [sflag:$0x1] =	stream.strided.gather @!p0 [hbm4b:s9+s0], $0x2780, s13, s0, $0x38;
	[tilespmem:$0x18B80] =	vst v63  }
0x20: {  	s19 =	simm.s32 @!p0 $0x11380  }
0x21: {  	[tilespmem:s19], [sflag:$0x1] =	stream.strided.gather @!p0 [hbm4b:s10+s0], $0x2780, s13, s0, $0x38;
	[tilespmem:$0x18B80] =	vst v63  }
0x22: {  	s19 =	simm.s32 @!p0 $0x13B00  }
0x23: {  	[tilespmem:s19], [sflag:$0x1] =	stream.strided.gather @!p0 [hbm4b:s11+s0], $0x2780, s13, s0, $0x38;
	[tilespmem:$0x18B80] =	vst v63  }
0x24: {  	s19 =	simm.s32 @!p0 $0x16280  }
0x25: {  	[tilespmem:s19], [sflag:$0x1] =	stream.strided.gather @!p0 [hbm4b:s12+s0], $0x2780, s13, s0, $0x38;
	[tilespmem:$0x18B80] =	vst v63  }
0x26: {  	s0 =	simm.s32 @!p0 $0x1  }
0x27: {  	_ =	swait.ge @!p0 [sflag:s0], $0x2780  }
0x28: {  	[sflag:s0] =	ssyncset.done @!p0 $0x0  }
0x29: {  	[sflag:s0] =	ssyncadd.s32 @!p0 $0xFFFFD880  }
0x2a: {  	_ =	swait.ge @!p0 [sflag:s0], $0x2780  }
0x2b: {  	[sflag:s0] =	ssyncset.done @!p0 $0x0  }
0x2c: {  	[sflag:s0] =	ssyncadd.s32 @!p0 $0xFFFFD880  }
0x2d: {  	_ =	swait.ge @!p0 [sflag:s0], $0x2780  }
0x2e: {  	[sflag:s0] =	ssyncset.done @!p0 $0x0  }
0x2f: {  	[sflag:s0] =	ssyncadd.s32 @!p0 $0xFFFFD880  }
0x30: {  	_ =	swait.ge @!p0 [sflag:s0], $0x2780  }
0x31: {  	[sflag:s0] =	ssyncset.done @!p0 $0x0  }
0x32: {  	[sflag:s0] =	ssyncadd.s32 @!p0 $0xFFFFD880;
	s0 =	rddreg @p1 [dreg:$0x2]  }
0x33: {  	[tilespmem:s25], [sflag:$0x1] =	stream.strided.gather @p1 [hbm4b:s0+s20], $0x2780, s21, s20, $0x38;
	[tilespmem:$0x18B80] =	vst v63  }
0x34: {  	_ = 	snop  }
0x35: {  	[tilespmem:s26], [sflag:$0x1] =	stream.strided.gather @p1 [hbm4b:s14+s20], $0x2780, s21, s20, $0x38;
	[tilespmem:$0x18B80] =	vst v63  }
0x36: {  	_ = 	snop  }
0x37: {  	[tilespmem:s28], [sflag:$0x1] =	stream.strided.gather @p1 [hbm4b:s15+s20], $0x2780, s21, s20, $0x38;
	[tilespmem:$0x18B80] =	vst v63  }
0x38: {  	_ = 	snop  }
0x39: {  	[tilespmem:s29], [sflag:$0x1] =	stream.strided.gather @p1 [hbm4b:s16+s20], $0x2780, s21, s20, $0x38;
	[tilespmem:$0x18B80] =	vst v63  }
0x3a: {  	_ =	swait.ge @p1 [sflag:s4], $0x2780  }
0x3b: {  	[sflag:s4] =	ssyncset.done @p1 $0x0  }
0x3c: {  	[sflag:s4] =	ssyncadd.s32 @p1 $0xFFFFD880  }
0x3d: {  	_ =	swait.ge @p1 [sflag:s4], $0x2780  }
0x3e: {  	[sflag:s4] =	ssyncset.done @p1 $0x0  }
0x3f: {  	[sflag:s4] =	ssyncadd.s32 @p1 $0xFFFFD880  }
0x40: {  	_ =	swait.ge @p1 [sflag:s4], $0x2780  }
0x41: {  	[sflag:s4] =	ssyncset.done @p1 $0x0  }
0x42: {  	[sflag:s4] =	ssyncadd.s32 @p1 $0xFFFFD880  }
0x43: {  	_ =	swait.ge @p1 [sflag:s4], $0x2780  }
0x44: {  	[sflag:s4] =	ssyncset.done @p1 $0x0  }
0x45: {  	[sflag:s4] =	ssyncadd.s32 @p1 $0xFFFFD880  }
0x46: {  	_ =	swait.ge [sflag:s4], $0x4E20  }
0x47: {  	[sflag:s4] =	ssyncset.done $0x0  }
0x48: {  	[sflag:s4] =	ssyncadd.s32 $0xFFFFB1E0  }
0x49: {  	_ =	swait.ge [sflag:s4], $0x4E20  }
0x4a: {  	[sflag:s4] =	ssyncset.done $0x0  }
0x4b: {  	[sflag:s4] =	ssyncadd.s32 $0xFFFFB1E0  }
0x4c: {  	_ =	swait.ge [sflag:s4], $0x2780  }
0x4d: {  	[sflag:s4] =	ssyncset.done $0x0  }
0x4e: {  	[sflag:s4] =	ssyncadd.s32 $0xFFFFD880  }
0x4f: {  	_ =	swait.ge [sflag:s4], $0x2780  }
0x50: {  	[sflag:s4] =	ssyncset.done $0x0  }
0x51: {  	[sflag:s4] =	ssyncadd.s32 $0xFFFFD880  }
0x52: {  	_ =	swait.ge [sflag:s4], $0x40  }
0x53: {  	v1 =	vld [tilespmem:$0x1FFB0];
	_ =	sdelay $0x5  }
0x54: {  	[sflag:s4] =	ssyncset.done $0x0  }
0x55: {  	[sflag:s4] =	ssyncadd.s32 $0xFFFFFFC0  }
0x56: {  	v16 =	vld.idx.msk [tilespmem:v1+s24+$0x0], $0xffff  }
0x57: {  	v1 =	vld [tilespmem:$0x1FFF0];
	_ =	sdelay $0x3  }
0x58: {  	s13 =	simm.s32 $0x4E90  }
0x59: {  	v10 =	vld [tilespmem:s13+$0x0]  }
0x5a: {  	s19 =	simm.s32 $0x10  }
0x5b: {  	v11 =	vld [tilespmem:s19+$0x0]  }
0x5c: {  	v17 =	vld.idx.msk [tilespmem:v1+s24+$0x0], $0xffff  }
0x5d: {  	v1 =	vld [tilespmem:$0x1FFC0];
	_ =	sdelay $0x1  }
0x5e: {  	v12 =	vld [tilespmem:s13+$0xFFFFFFF0]  }
0x5f: {  	v15 =	vld [tilespmem:s19+$0xFFFFFFF0]  }
0x60: {  	v9 =	vld.idx.msk [tilespmem:v10+s22+$0x0], $0xffff  }
0x61: {  	v10 =	vld.idx.msk [tilespmem:v10+s23+$0x0], $0xffff  }
0x62: {  	v13 =	vld.idx.msk [tilespmem:v11+s26+$0x0], $0xffff  }
0x63: {  	v14 =	vld.idx.msk [tilespmem:v0+s24+$0x0], $0xffff  }
0x64: {  	v18 =	vld.idx.msk [tilespmem:v1+s24+$0x0], $0xffff  }
0x65: {  	v22 =	vmul.f32 v9, v16;
	v1 =	vld [tilespmem:$0x1FFD0]  }
0x66: {  	v21 =	vld.idx.msk [tilespmem:v6+s24+$0x0], $0xffff  }
0x67: {  	v29 =	vld.idx.msk [tilespmem:v12+s22+$0x0], $0xffff;
	v23 =	vadd.f32 v13, v22;
	v24 =	vmul.f32 v10, v17  }
0x68: {  	v13 =	vld.idx.msk [tilespmem:v12+s23+$0x0], $0xffff  }
0x69: {  	v12 =	vadd.f32 v23, v24;
	v23 =	vld.idx.msk [tilespmem:v15+s28+$0x0], $0xffff  }
0x6a: {  	v30 =	vld.idx.msk [tilespmem:v15+s26+$0x0], $0xffff  }
0x6b: {  	v24 =	vld.idx.msk [tilespmem:v15+s29+$0x0], $0xffff  }
0x6c: {  	v15 =	vld.idx.msk [tilespmem:v15+s25+$0x0], $0xffff;
	v27 =	vmul.f32 v29, v18  }
0x6d: {  	v19 =	vld.idx.msk [tilespmem:v1+s24+$0x0], $0xffff  }
0x6e: {  	v33 =	vmul.f32 v13, v21;
	v23 =	vadd.f32 v23, v27;
	v1 =	vld [tilespmem:$0x1FFE0]  }
0x6f: {  	v8 =	vld [tilespmem:$0x18A10]  }
0x70: {  	v25 =	vmul.f32 v29, v14;
	v28 =	vmul.f32 v29, v16;
	v23 =	vadd.f32 v23, v33  }
0x71: {  	s19 =	simm.s32 $0x4EB0;
	v22 =	vld.idx.msk [tilespmem:v7+s24+$0x0], $0xffff;
	v26 =	vmul.f32 $2.000000030e-01, v12  }
0x72: {  	v52 =	vld [tilespmem:s19+$0x0];
	v15 =	vadd.f32 v15, v25;
	v25 =	vadd.f32 v30, v28;
	v30 =	vmul.f32 $2.000000030e-01, v23  }
0x73: {  	v35 =	vld.idx.msk [tilespmem:v11+s28+$0x0], $0xffff;
	v12 =	vmax.f32 v12, v26  }
0x74: {  	v26 =	vld.idx.msk [tilespmem:v11+s29+$0x0], $0xffff;
	v12 =	vsub.f32 v12, v8;
	v34 =	vmul.f32 v29, v19;
	v23 =	vmax.f32 v23, v30  }
0x75: {  	v32 =	vmul.f32 v9, v14;
	v11 =	vld.idx.msk [tilespmem:v11+s25+$0x0], $0xffff;
	v23 =	vsub.f32 v23, v8  }
0x76: {  	v53 =	vmul.f32 v13, v22;
	v12 =	vmul.f32 $1.442695020e+00, v12;
	v24 =	vadd.f32 v24, v34;
	v20 =	vld.idx.msk [tilespmem:v1+s24+$0x0], $0xffff  }
0x77: {  	v36 =	vmul.f32 v13, v17;
	v23 =	vmul.f32 $1.442695020e+00, v23  }
0x78: {  	v51 =	vmul.f32 v10, v22;
	(erf) = vpow2.f32 v12;
	v54 =	vadd.f32 v24, v53  }
0x79: {  	v27 =	vmul.f32 v9, v18;
	(erf) = vpow2.f32 v23  }
0x7a: {  	v25 =	vadd.f32 v25, v36;
	v38 =	vmul.f32 v9, v19;
	v55 =	vmul.f32 $2.000000030e-01, v54  }
0x7b: {  	v28 =	vld [tilespmem:s19+$0xFFFFFFF0];
	v11 =	vadd.f32 v11, v32;
	v31 =	vmul.f32 v10, v20;
	v37 =	vmul.f32 v13, v20  }
0x7c: {  	v12 =	vmul.f32 v10, v21;
	v27 =	vadd.f32 v35, v27;
	v26 =	vadd.f32 v26, v38  }
0x7d: {  	v32 =	vmax.f32 v54, v55;
	v15 =	vadd.f32 v15, v37;
	v31 =	vadd.f32 v11, v31;
	v11 =	vld.idx.msk [tilespmem:v52+s23+$0x0], $0xffff  }
0x7e: {  	v30 =	vadd.f32 v26, v51;
	v32 =	vsub.f32 v32, v8  }
0x7f: {  	s0 =	simm.s32 $0x30;
	v27 =	vadd.f32 v27, v12;
	v26 =	vmul.f32 $2.000000030e-01, v25;
	v24 =	vmul.f32 $2.000000030e-01, v15  }
0x80: {  	v40 =	vld [tilespmem:s0+$0x0];
	v56 =	vmul.f32 $2.000000030e-01, v30;
	v32 =	vmul.f32 $1.442695020e+00, v32  }
0x81: {  	v36 =	vld [tilespmem:s0+$0xFFFFFFF0];
	v41 =	vpop (erf);
	v12 =	vmax.f32 v15, v24;
	v15 =	vmax.f32 v25, v26;
	v24 =	vmul.f32 $2.000000030e-01, v27  }
0x82: {  	v44 =	vpop (erf);
	v25 =	vsub.f32 v12, v8;
	v26 =	vsub.f32 v15, v8;
	v54 =	vmul.f32 v11, v22  }
0x83: {  	v12 =	vld.idx.msk [tilespmem:v28+s22+$0x0], $0xffff;
	v60 =	vmul.f32 v11, v17;
	v51 =	vmul.f32 v44, v29;
	v23 =	vmax.f32 v27, v24  }
0x84: {  	v15 =	vld.idx.msk [tilespmem:v52+s22+$0x0], $0xffff;
	v24 =	vmul.f32 v41, v9;
	v25 =	vmul.f32 $1.442695020e+00, v25;
	v27 =	vsub.f32 v23, v8  }
0x85: {  	v57 =	vmul.f32 $1.442695020e+00, v26;
	v23 =	vld.idx.msk [tilespmem:v28+s23+$0x0], $0xffff;
	v28 =	vmul.f32 $2.000000030e-01, v31  }
0x86: {  	(erf) = vpow2.f32 v25;
	v27 =	vmul.f32 $1.442695020e+00, v27  }
0x87: {  	v25 =	vmax.f32 v30, v56;
	v30 =	vmul.f32 v11, v20;
	(erf) = vpow2.f32 v57  }
0x88: {  	v59 =	vld.idx.msk [tilespmem:v40+s26+$0x0], $0xffff;
	v28 =	vmax.f32 v31, v28;
	v33 =	vmul.f32 v12, v14;
	v31 =	vmul.f32 v12, v18  }
0x89: {  	v58 =	vld.idx.msk [tilespmem:v36+s29+$0x0], $0xffff;
	v26 =	vimm.f32 $0.0e+00;
	v38 =	vmul.f32 v12, v16;
	v42 =	vmul.f32 v15, v14  }
0x8a: {  	v50 =	vld.idx.msk [tilespmem:v36+s26+$0x0], $0xffff;
	v28 =	vsub.f32 v28, v8;
	v46 =	vmul.f32 v15, v16;
	v52 =	vmul.f32 v15, v18  }
0x8b: {  	v39 =	vld.idx.msk [tilespmem:v40+s29+$0x0], $0xffff;
	v48 =	vadd.f32 v44, v26;
	(erf) = vpow2.f32 v27;
	v43 =	vmul.f32 v23, v21  }
0x8c: {  	v25 =	vsub.f32 v25, v8;
	v27 =	vmul.f32 $1.442695020e+00, v28;
	v28 =	vmul.f32 v12, v19  }
0x8d: {  	v45 =	vmul.f32 v23, v17;
	v37 =	vmul.f32 v23, v20;
	v34 =	vadd.f32 v59, v46;
	v59 =	vld.idx.msk [tilespmem:v40+s25+$0x0], $0xffff  }
0x8e: {  	v53 =	vadd.f32 v58, v28;
	v28 =	vld.idx.msk [tilespmem:v36+s25+$0x0], $0xffff;
	(erf) = vpow2.f32 v27;
	v27 =	vmul.f32 v15, v19  }
0x8f: {  	v46 =	vmul.f32 v11, v21;
	v50 =	vadd.f32 v50, v38;
	v34 =	vadd.f32 v34, v60;
	v36 =	vld.idx.msk [tilespmem:v36+s28+$0x0], $0xffff  }
0x90: {  	v63 =	vmul.f32 v23, v22;
	v58 =	vmul.f32 $1.442695020e+00, v25;
	v57 =	vadd.f32 v39, v27  }
0x91: {  	v25 =	vmul.f32 $2.000000030e-01, v34;
	v39 =	vadd.f32 v51, v26;
	v51 =	vadd.f32 v50, v45;
	v49 =	vpop (erf)  }
0x92: {  	v27 =	vmul.f32 v41, v10;
	v50 =	vadd.f32 v59, v42;
	v56 =	vadd.f32 v49, v26  }
0x93: {  	v55 =	vmul.f32 v49, v29;
	v35 =	vpop (erf);
	v47 =	vadd.f32 v28, v33;
	(erf) = vpow2.f32 v32  }
0x94: {  	v28 =	vmax.f32 v34, v25;
	v31 =	vadd.f32 v36, v31;
	v60 =	vadd.f32 v35, v26;
	v32 =	vpop (erf)  }
0x95: {  	v61 =	vmul.f32 v49, v13;
	v34 =	vsub.f32 v28, v8;
	v28 =	vadd.f32 v32, v48  }
0x96: {  	v33 =	vmul.f32 v35, v29;
	v45 =	vadd.f32 v55, v26;
	v55 =	vadd.f32 v31, v43  }
0x97: {  	v38 =	vmul.f32 v32, v9;
	v43 =	vadd.f32 v57, v54;
	v25 =	vadd.f32 v41, v60;
	v60 =	vld.idx.msk [tilespmem:v40+s28+$0x0], $0xffff  }
0x98: {  	v54 =	vmul.f32 v44, v13;
	v44 =	vadd.f32 v53, v63;
	v41 =	vmul.f32 v32, v10  }
0x99: {  	v34 =	vmul.f32 $1.442695020e+00, v34;
	v40 =	vadd.f32 v61, v26;
	v62 =	vpop (erf);
	(erf) = vpow2.f32 v58  }
0x9a: {  	v36 =	vadd.f32 v33, v26;
	v32 =	vimm.f32 $0.0e+00;
	v48 =	vmul.f32 v62, v10  }
0x9b: {  	v33 =	vimm.f32 $0.0e+00;
	v49 =	vmul.f32 v62, v9;
	(erf) = vpow2.f32 v34  }
0x9c: {  	v31 =	vadd.f32 v62, v56;
	v56 =	vmul.f32 $2.000000030e-01, v55;
	v57 =	vadd.f32 v60, v52;
	v52 =	vpop (erf)  }
0x9d: {  	s13 =	simm.s32 $0x4ED0;
	s19 =	simm.s32 $0x2;
	v34 =	vimm.f32 $0.0e+00;
	v53 =	vmul.f32 v52, v29;
	v29 =	vimm.f32 $0.0e+00  }
.LBB2_2:
0x9e: {  	v58 =	vld [tilespmem:s13+$0xFFFFFFF0];
	s19 =	sadd.s32 $0x2, s19;
	v42 =	vmul.f32 $2.000000030e-01, v51;
	v46 =	vadd.f32 v57, v46;
	v26 =	vadd.f32 v52, v26  }
0x9f: {  	v60 =	vmul.f32 $2.000000030e-01, v43;
	s0 =	sadd.s32 $0x20, s0;
	v32 =	vadd.f32 v54, v32;
	v57 =	vld [tilespmem:s13+$0x0];
	p2 =	slt.u32 s19, $0x4E0;
	v59 =	vmul.f32 $2.000000030e-01, v44  }
0xa0: {  	v40 =	vadd.f32 v48, v40;
	v54 =	vld [tilespmem:s0+$0xFFFFFFF0];
	v51 =	vmax.f32 v51, v42;
	v42 =	vmax.f32 v55, v56  }
0xa1: {  	v37 =	vadd.f32 v47, v37;
	v35 =	vmul.f32 v35, v13;
	v47 =	vmul.f32 $2.000000030e-01, v46  }
0xa2: {  	v52 =	vmul.f32 v52, v13;
	v45 =	vadd.f32 v49, v45;
	v42 =	vsub.f32 v42, v8;
	v48 =	vld [tilespmem:s0+$0x0];
	v49 =	vpop (erf)  }
0xa3: {  	v30 =	vadd.f32 v50, v30;
	v13 =	vmovc v23;
	v33 =	vadd.f32 v53, v33;
	v55 =	vmul.f32 $2.000000030e-01, v37  }
0xa4: {  	v39 =	vadd.f32 v38, v39;
	v34 =	vadd.f32 v35, v34;
	v23 =	vmul.f32 $1.442695020e+00, v42  }
0xa5: {  	v32 =	vadd.f32 v41, v32;
	v35 =	vmax.f32 v37, v55;
	v37 =	vmax.f32 v46, v47;
	v50 =	vpop (erf)  }
0xa6: {  	v35 =	vsub.f32 v35, v8;
	v41 =	vmul.f32 v49, v10;
	v42 =	vld.idx.msk [tilespmem:v58+s22+$0x0], $0xffff;
	v38 =	vmul.f32 v50, v15  }
0xa7: {  	v46 =	vsub.f32 v51, v8;
	v26 =	vadd.f32 v49, v26;
	v10 =	vmovc v11;
	(erf) = vpow2.f32 v23;
	v11 =	vld.idx.msk [tilespmem:v57+s23+$0x0], $0xffff  }
0xa8: {  	v29 =	vadd.f32 v52, v29;
	v37 =	vsub.f32 v37, v8;
	v35 =	vmul.f32 $1.442695020e+00, v35;
	v47 =	vld.idx.msk [tilespmem:v57+s22+$0x0], $0xffff  }
0xa9: {  	v43 =	vmax.f32 v43, v60;
	v51 =	vmul.f32 $2.000000030e-01, v30;
	v46 =	vmul.f32 $1.442695020e+00, v46;
	v23 =	vld.idx.msk [tilespmem:v58+s23+$0x0], $0xffff  }
0xaa: {  	v37 =	vmul.f32 $1.442695020e+00, v37;
	v29 =	vadd.f32 v41, v29;
	v52 =	vld.idx.msk [tilespmem:v48+s29+$0x0], $0xffff;
	(erf) = vpow2.f32 v35  }
0xab: {  	v41 =	vmax.f32 v44, v59;
	v44 =	vmul.f32 v49, v9;
	v9 =	vmovc v15;
	v35 =	vld.idx.msk [tilespmem:v54+s29+$0x0], $0xffff;
	(erf) = vpow2.f32 v46  }
0xac: {  	v36 =	vadd.f32 v24, v36;
	v15 =	vmax.f32 v30, v51;
	v49 =	vmul.f32 v42, v14;
	v46 =	vld.idx.msk [tilespmem:v48+s26+$0x0], $0xffff  }
0xad: {  	v51 =	vsub.f32 v15, v8;
	v33 =	vadd.f32 v44, v33;
	v53 =	vmul.f32 v42, v18;
	v56 =	vld.idx.msk [tilespmem:v48+s28+$0x0], $0xffff  }
0xae: {  	v34 =	vadd.f32 v27, v34;
	v44 =	vmul.f32 v42, v16;
	v30 =	vmul.f32 v11, v20;
	v55 =	vld.idx.msk [tilespmem:v54+s28+$0x0], $0xffff  }
0xaf: {  	v24 =	vmovc v38;
	v58 =	vmul.f32 v47, v14;
	v15 =	vmov v47;
	v57 =	vld.idx.msk [tilespmem:v54+s26+$0x0], $0xffff;
	(erf) = vpow2.f32 v37  }
0xb0: {  	v43 =	vsub.f32 v43, v8;
	v27 =	vmul.f32 $1.442695020e+00, v51;
	v38 =	vld.idx.msk [tilespmem:v54+s25+$0x0], $0xffff;
	v54 =	vmul.f32 v23, v21;
	v59 =	vpop (erf)  }
0xb1: {  	v41 =	vsub.f32 v41, v8;
	v47 =	vmul.f32 v42, v19;
	v51 =	vmul.f32 v23, v17;
	v48 =	vld.idx.msk [tilespmem:v48+s25+$0x0], $0xffff  }
0xb2: {  	v60 =	vmul.f32 v15, v16;
	v37 =	vmul.f32 v23, v20;
	v28 =	vadd.f32 v59, v28  }
0xb3: {  	v63 =	vmul.f32 v11, v22;
	v62 =	vmul.f32 v15, v18;
	v61 =	vadd.f32 v35, v47;
	v1 =	vpop (erf)  }
0xb4: {  	v47 =	vmul.f32 v11, v17;
	v46 =	vadd.f32 v46, v60;
	v35 =	vpop (erf);
	(erf) = vpow2.f32 v27  }
0xb5: {  	v27 =	vmul.f32 v15, v19;
	v31 =	vadd.f32 v1, v31;
	v60 =	vmul.f32 v1, v12  }
0xb6: {  	v3 =	vmul.f32 v59, v12;
	v2 =	vadd.f32 v46, v47;
	v46 =	vmul.f32 v11, v21  }
0xb7: {  	v43 =	vmul.f32 $1.442695020e+00, v43;
	v41 =	vmul.f32 $1.442695020e+00, v41;
	v52 =	vadd.f32 v52, v27  }
0xb8: {  	v4 =	vmul.f32 $2.000000030e-01, v2;
	v25 =	vadd.f32 v35, v25;
	v27 =	vmul.f32 v50, v10;
	v5 =	vpop (erf)  }
0xb9: {  	v47 =	vadd.f32 v38, v49;
	v49 =	vmul.f32 v35, v12;
	(erf) = vpow2.f32 v41  }
0xba: {  	v2 =	vmax.f32 v2, v4;
	v41 =	vadd.f32 v57, v44;
	v38 =	vmul.f32 v5, v9  }
0xbb: {  	v39 =	vadd.f32 v3, v39;
	v1 =	vmul.f32 v1, v13;
	v25 =	vadd.f32 v50, v25  }
0xbc: {  	v2 =	vsub.f32 v2, v8;
	v28 =	vadd.f32 v5, v28  }
0xbd: {  	v45 =	vadd.f32 v60, v45;
	v51 =	vadd.f32 v41, v51;
	v41 =	vmul.f32 v5, v10;
	v3 =	vpop (erf)  }
0xbe: {  	v50 =	vadd.f32 v48, v58;
	v2 =	vmul.f32 $1.442695020e+00, v2;
	v48 =	vmul.f32 v3, v10  }
.Ltmp0:
0xbf: {  	v40 =	vadd.f32 v1, v40;
	v4 =	vadd.f32 v55, v53;
	(erf) = vpow2.f32 v43;
	(pc) =	sbr.rel @p2 .LBB2_2-.Ltmp0, $4  }
0xc0: {  	v1 =	vmul.f32 v23, v22;
	v36 =	vadd.f32 v49, v36;
	v49 =	vmul.f32 v3, v9  }
0xc1: {  	v55 =	vadd.f32 v4, v54;
	v54 =	vmul.f32 v59, v13;
	v43 =	vadd.f32 v52, v63  }
0xc2: {  	v57 =	vadd.f32 v56, v62;
	v31 =	vadd.f32 v3, v31;
	(erf) = vpow2.f32 v2;
	v52 =	vpop (erf)  }
0xc3: {  	s13 =	sadd.s32 $0x20, s13;
	v44 =	vadd.f32 v61, v1;
	v56 =	vmul.f32 $2.000000030e-01, v55;
	v53 =	vmul.f32 v52, v12;
	v12 =	vmovc v42  }
0xc4: {  	v1 =	vadd.f32 v47, v37  }
0xc5: {  	v2 =	vmul.f32 $2.000000030e-01, v51;
	v3 =	vadd.f32 v57, v46;
	v16 =	vadd.f32 v50, v30  }
0xc6: {  	v32 =	vadd.f32 v54, v32;
	v37 =	vmul.f32 v35, v13;
	v4 =	vmul.f32 $2.000000030e-01, v1  }
0xc7: {  	v19 =	vadd.f32 v38, v39;
	v5 =	vmul.f32 $2.000000030e-01, v44;
	v14 =	vmax.f32 v55, v56  }
0xc8: {  	v17 =	vmul.f32 $2.000000030e-01, v3;
	v14 =	vsub.f32 v14, v8;
	v1 =	vmax.f32 v1, v4  }
0xc9: {  	v2 =	vmax.f32 v51, v2;
	v4 =	vmul.f32 $2.000000030e-01, v16;
	v1 =	vsub.f32 v1, v8  }
0xca: {  	v2 =	vsub.f32 v2, v8;
	v14 =	vmul.f32 $1.442695020e+00, v14;
	v3 =	vmax.f32 v3, v17  }
0xcb: {  	v3 =	vsub.f32 v3, v8;
	v4 =	vmax.f32 v16, v4;
	v1 =	vmul.f32 $1.442695020e+00, v1  }
0xcc: {  	v2 =	vmul.f32 $1.442695020e+00, v2;
	(erf) = vpow2.f32 v14;
	v4 =	vsub.f32 v4, v8  }
0xcd: {  	v42 =	vadd.f32 v53, v33;
	v3 =	vmul.f32 $1.442695020e+00, v3;
	(erf) = vpow2.f32 v1  }
0xce: {  	v5 =	vmax.f32 v44, v5;
	v18 =	vpop (erf);
	(erf) = vpow2.f32 v2;
	v2 =	vmul.f32 $1.442695020e+00, v4  }
0xcf: {  	v5 =	vsub.f32 v5, v8;
	v9 =	vmul.f32 v18, v9;
	(erf) = vpow2.f32 v3  }
0xd0: {  	v16 =	vadd.f32 v37, v34;
	v4 =	vmul.f32 $2.000000030e-01, v43;
	(erf) = vpow2.f32 v2  }
0xd1: {  	v10 =	vmul.f32 v18, v10;
	v14 =	vadd.f32 v41, v32;
	v9 =	vadd.f32 v9, v42  }
0xd2: {  	v1 =	vadd.f32 v52, v26;
	v3 =	vadd.f32 v48, v40;
	v4 =	vmax.f32 v43, v4  }
0xd3: {  	v40 =	vadd.f32 v49, v45;
	v2 =	vmul.f32 v52, v13;
	v4 =	vsub.f32 v4, v8  }
0xd4: {  	v5 =	vmul.f32 $1.442695020e+00, v5;
	v20 =	vpop (erf);
	v1 =	vadd.f32 v18, v1;
	v43 =	vadd.f32 v24, v36  }
0xd5: {  	v8 =	vmul.f32 v20, v15;
	v2 =	vadd.f32 v2, v29;
	v21 =	vpop (erf);
	v4 =	vmul.f32 $1.442695020e+00, v4  }
0xd6: {  	(erf) = vpow2.f32 v5;
	v5 =	vadd.f32 v27, v16;
	v57 =	vmul.f32 v21, v23;
	v44 =	vpop (erf)  }
0xd7: {  	v2 =	vadd.f32 v10, v2;
	v46 =	vadd.f32 v21, v28;
	(erf) = vpow2.f32 v4;
	v45 =	vpop (erf)  }
0xd8: {  	v14 =	vadd.f32 v57, v14;
	v22 =	vmul.f32 v44, v12;
	v48 =	vadd.f32 v44, v31;
	v47 =	vpop (erf)  }
0xd9: {  	v18 =	vmul.f32 v44, v23;
	v4 =	vmul.f32 v45, v12;
	v25 =	vadd.f32 v45, v25;
	v49 =	vpop (erf)  }
0xda: {  	v17 =	vmul.f32 v45, v23;
	v59 =	vmul.f32 v47, v11;
	v52 =	vadd.f32 v49, v48  }
0xdb: {  	v13 =	vadd.f32 v22, v40;
	v50 =	vmul.f32 v49, v15;
	v55 =	vadd.f32 v20, v25  }
0xdc: {  	v3 =	vadd.f32 v18, v3;
	v51 =	vmul.f32 v49, v11;
	v62 =	vadd.f32 v59, v14;
	[tilespmem:$0x18A80] =	vst v52  }
0xdd: {  	v53 =	vmul.f32 v21, v12;
	v4 =	vadd.f32 v4, v43;
	v13 =	vadd.f32 v50, v13;
	[tilespmem:$0x18A90] =	vst v55  }
0xde: {  	v54 =	vmul.f32 v20, v11;
	v5 =	vadd.f32 v17, v5;
	v3 =	vadd.f32 v51, v3;
	[tilespmem:$0x18B20] =	vst v62  }
0xdf: {  	v56 =	vadd.f32 v53, v19;
	v58 =	vpop (erf);
	v4 =	vadd.f32 v8, v4;
	[tilespmem:$0x18AC0] =	vst v13  }
0xe0: {  	v60 =	vmul.f32 v58, v12;
	v5 =	vadd.f32 v54, v5;
	[tilespmem:$0x18B00] =	vst v3;
	v3 =	vmul.f32 v47, v15  }
0xe1: {  	v1 =	vadd.f32 v58, v1;
	v8 =	vadd.f32 v47, v46;
	[tilespmem:$0x18AD0] =	vst v4;
	v4 =	vmul.f32 v58, v23;
	v61 =	vpop (erf)  }
0xe2: {  	[tilespmem:$0x18B10] =	vst v5;
	v5 =	vadd.f32 v60, v9;
	v63 =	vmul.f32 v61, v15;
	v3 =	vadd.f32 v3, v56  }
0xe3: {  	[tilespmem:$0x18AA0] =	vst v8;
	v8 =	vmul.f32 v61, v11;
	v1 =	vadd.f32 v61, v1;
	v2 =	vadd.f32 v4, v2  }
0xe4: {  	[tilespmem:$0x18AE0] =	vst v3;
	v3 =	vadd.f32 v63, v5  }
0xe5: {  	s1 =	sadd.s32 $0x1, s1;
	[tilespmem:$0x18AB0] =	vst v1;
	v2 =	vadd.f32 v8, v2  }
0xe6: {  	p2 =	sne.s32 s1, s18;
	[tilespmem:$0x18AF0] =	vst v3  }
.Ltmp1:
0xe7: {  	[tilespmem:$0x18B30] =	vst v2;
	(pc) =	sbr.rel @p2 .LBB2_1-.Ltmp1, $4  }
0xe8: {  	[hbm4b:s17+s2] =	stream.linear.scatter [tilespmem:s30], [sflag:$0x2], $0xC0, $0x38;
	[tilespmem:$0x18B80] =	vst v63  }
0xe9: {  	_ =	swait.ge [sflag:s31], $0xC0  }
0xea: {  	[sflag:s31] =	ssyncset.done $0x0  }
0xeb: {  	[sflag:s31] =	ssyncadd.s32 $0xFFFFFF40  }
0xec: {  	_ =	sfence.sel $0x180000  }
0xed: {  	[bflag:$0x0] =	sbarrier.arrive $0xFFFF  }
0xee: {  	_ =	strace $0x90000047  }
0xef: {  	s0 =	stileid.u32;
	[bflag:$0x2] =	sbarrier.arrive $0xFFFF  }
0xf0: {  	p0 =	sne.s32 s0, $0x0;
	s0 =	rddreg [dreg:$0x1]  }
0xf1: {  	s0 =	sadd.s32 @!p0 $0x100000, s0  }
0xf2: {  	[sflag:s0] =	ssyncadd.tile.s32 @!p0 $0x1;
	_ =	shalt  }
.Lfunc_end2:
_tile_overlayer_lowered:
.L_overlay_start_2:
0xf3: {  	(tag) =	ssettag $0x2  }
0xf4: {  	s0 =	rddreg [dreg:$0x0];
	s2 =	stileid.u32  }
0xf5: {  	s1 =	rddreg [dreg:$0x1];
	p0 =	sne.s32 s2, $0x0  }
0xf6: {  	s3 =	rddreg [dreg:$0x2];
	[bflag:$0x3] =	sbarrier.arrive $0xFFFF;
	s2 =	simm.s32 @!p0 $0x1C02  }
0xf7: {  	[timem:s3], [sflag:s2] =	dma.local @!p0 [hbm:s0], s1  }
0xf8: {  	s0 =	simm.s32 @!p0 $0x2  }
0xf9: {  	_ =	swait.ge @!p0 [sflag:s0], s1  }
0xfa: {  	s1 =	ssub.s32 @!p0 $0x0, s1;
	[sflag:s0] =	ssyncset.done @!p0 $0x0  }
0xfb: {  	[sflag:s0] =	ssyncadd.s32 @!p0 s1  }
0xfc: {  	[bflag:$0x3] =	sbarrier.arrive $0xFFFF  }
0xfd: {  	_ =	shalt  }

</sc_bundles>
